<compile_context>
chip_gen: v7x
topology: tpu7x:2x2x1
jax: 0.10.2.dev20260603
libtpu: 0.0.44.dev20260713+nightly
codegen_flags: <defaults>
</compile_context>

<pallas_src>
import functools

import jax
import jax.numpy as jnp
from jax import lax
from jax.experimental import pallas as pl
from jax.experimental.pallas import tpu as pltpu
from jax.experimental.pallas import tpu_sc as plsc

TM = 128


def _router_body(x_ref, gw_ref, pos_ref, meta_ref):
    x = x_ref[...]
    gw = gw_ref[...]
    T, _ = x.shape
    E = gw.shape[0]
    Gp = meta_ref.shape[0]
    logits = lax.dot_general(x, gw, (((1,), (1,)), ((), ())),
                             preferred_element_type=jnp.float32)
    amax = jnp.max(logits, axis=1, keepdims=True)
    col = lax.broadcasted_iota(jnp.int32, (T, E), 1)
    eid = jnp.min(jnp.where(logits >= amax, col, E), axis=1)
    onehot = (col == eid[:, None]).astype(jnp.float32)
    TB = 256
    r = lax.broadcasted_iota(jnp.int32, (TB, TB), 0)
    c = lax.broadcasted_iota(jnp.int32, (TB, TB), 1)
    tri = (r >= c).astype(jnp.float32)
    carry = jnp.zeros((1, E), jnp.float32)
    blocks = []
    for i in range(T // TB):
        oh = onehot[i * TB:(i + 1) * TB, :]
        cs = lax.dot_general(tri, oh, (((1,), (0,)), ((), ())),
                             preferred_element_type=jnp.float32)
        blocks.append(cs + carry)
        carry = carry + jnp.sum(oh, axis=0)[None, :]
    csum = jnp.concatenate(blocks, axis=0)
    rank = jnp.sum(onehot * csum, axis=1) - 1.0
    counts = carry
    er = lax.broadcasted_iota(jnp.int32, (E, E), 0)
    ec = lax.broadcasted_iota(jnp.int32, (E, E), 1)
    stri = (er < ec).astype(jnp.float32)
    off = lax.dot_general(counts, stri, (((1,), (0,)), ((), ())),
                          preferred_element_type=jnp.float32)
    base = jnp.sum(onehot * off, axis=1)
    pos_ref[...] = (base + rank).astype(jnp.int32)

    cnt_i = counts.astype(jnp.int32)
    off_i = off.astype(jnp.int32)
    csum_i = off_i + cnt_i
    t_start = off_i // TM
    t_last = (csum_i - 1) // TM
    p = jnp.where(cnt_i > 0, t_last - t_start + 1, 0)
    itri = (er <= ec).astype(jnp.float32)
    P = lax.dot_general(p.astype(jnp.float32), itri,
                        (((1,), (0,)), ((), ())),
                        preferred_element_type=jnp.float32).astype(jnp.int32)
    total = P[:, E - 1:E]
    g = lax.broadcasted_iota(jnp.int32, (Gp, 1), 0)
    gv = jnp.minimum(g, total - 1)
    eg = jnp.sum((P <= gv).astype(jnp.int32), axis=1,
                 keepdims=True)
    eoh = (lax.broadcasted_iota(jnp.int32, (Gp, E), 1) ==
           eg).astype(jnp.int32)
    Pprev_g = jnp.sum(eoh * (P - p), axis=1, keepdims=True)
    ts_g = jnp.sum(eoh * t_start, axis=1, keepdims=True)
    off_g = jnp.sum(eoh * off_i, axis=1, keepdims=True)
    cnt_g = jnp.sum(eoh * cnt_i, axis=1, keepdims=True)
    m = ts_g + (gv - Pprev_g)
    rs = jnp.maximum(off_g - m * TM, 0)
    re = jnp.minimum(off_g + cnt_g - m * TM, TM)
    valid = g < total
    rs = jnp.where(valid, rs, 0)
    re = jnp.where(valid, re, 0)
    first = (valid & (rs == 0)).astype(jnp.int32)
    meta_ref[...] = jnp.concatenate([eg, m, rs, re, first], axis=1)


def _router(x, gate_w, Gp):
    T = x.shape[0]
    return pl.pallas_call(
        _router_body,
        out_shape=[
            jax.ShapeDtypeStruct((T,), jnp.int32),
            jax.ShapeDtypeStruct((Gp, 5), jnp.int32),
        ],
    )(x, gate_w)


def _gmm(meta, xs, ew_gate, ew_up, ew_down):
    T, H = xs.shape
    E, DFF, _ = ew_gate.shape
    G = T // TM + E - 1

    def body(meta_ref, xs_ref, wg_ref, wu_ref, wd_ref, out_ref):
        g = pl.program_id(0)
        rs = meta_ref[g, 2]
        re = meta_ref[g, 3]
        first = meta_ref[g, 4]
        xb = xs_ref[...]
        hg = lax.dot_general(xb, wg_ref[0], (((1,), (1,)), ((), ())),
                             preferred_element_type=jnp.float32,
                             precision=lax.Precision.DEFAULT)
        hu = lax.dot_general(xb, wu_ref[0], (((1,), (1,)), ((), ())),
                             preferred_element_type=jnp.float32,
                             precision=lax.Precision.DEFAULT)
        h = hg * jax.nn.sigmoid(hg) * hu
        o = lax.dot_general(h, wd_ref[0], (((1,), (1,)), ((), ())),
                            preferred_element_type=jnp.float32,
                            precision=lax.Precision.DEFAULT)
        rows = lax.broadcasted_iota(jnp.int32, (TM, 1), 0)
        mask = (rows >= rs) & (rows < re)

        @pl.when(first == 1)
        def _():
            out_ref[...] = jnp.where(mask, o, 0.0)

        @pl.when(first == 0)
        def _():
            out_ref[...] = jnp.where(mask, o, out_ref[...])

    grid_spec = pltpu.PrefetchScalarGridSpec(
        num_scalar_prefetch=1,
        grid=(G,),
        in_specs=[
            pl.BlockSpec((TM, H), lambda g, meta: (meta[g, 1], 0)),
            pl.BlockSpec((1, DFF, H), lambda g, meta: (meta[g, 0], 0, 0)),
            pl.BlockSpec((1, DFF, H), lambda g, meta: (meta[g, 0], 0, 0)),
            pl.BlockSpec((1, H, DFF), lambda g, meta: (meta[g, 0], 0, 0)),
        ],
        out_specs=pl.BlockSpec((TM, H), lambda g, meta: (meta[g, 1], 0)),
    )
    return pl.pallas_call(
        body,
        grid_spec=grid_spec,
        out_shape=jax.ShapeDtypeStruct((T, H), jnp.float32),
    )(meta, xs, ew_gate, ew_up, ew_down)


def _sc_permute(rows_in, pos, direction):
    T, H = rows_in.shape
    info = plsc.get_sparse_core_info()
    NC = info.num_cores
    NW = NC * info.num_subcores
    bpw = T // NW
    mesh = plsc.VectorSubcoreMesh(core_axis_name="c", subcore_axis_name="s")

    @functools.partial(
        pl.kernel, mesh=mesh,
        out_type=jax.ShapeDtypeStruct((T, H), jnp.float32),
        scratch_types=[
            pltpu.VMEM((bpw,), jnp.int32),
            pltpu.VMEM((bpw, H), jnp.float32),
            pltpu.SemaphoreType.DMA,
        ],
    )
    def k(src_hbm, pos_hbm, out_hbm, idx_v, rows_v, sem):
        wid = lax.axis_index("s") * NC + lax.axis_index("c")
        base = wid * bpw
        pltpu.sync_copy(pos_hbm.at[pl.ds(base, bpw)], idx_v)
        if direction == "scatter":
            pltpu.sync_copy(src_hbm.at[pl.ds(base, bpw)], rows_v)
            pltpu.async_copy(rows_v, out_hbm.at[idx_v], sem).wait()
        else:
            pltpu.async_copy(src_hbm.at[idx_v], rows_v, sem).wait()
            pltpu.sync_copy(rows_v, out_hbm.at[pl.ds(base, bpw)])

    return k(rows_in, pos)


def _shared(x, sh_gate_up, sh_down, seg_w, moe):
    T, H = x.shape
    TS = 256
    SFF = sh_gate_up.shape[0] // 2

    def body(x_ref, wgu_ref, wdn_ref, segw_ref, moe_ref, out_ref):
        xb = x_ref[...]
        gu = lax.dot_general(xb, wgu_ref[...], (((1,), (1,)), ((), ())),
                             preferred_element_type=jnp.float32,
                             precision=lax.Precision.DEFAULT)
        a = gu[:, :SFF]
        b = gu[:, SFF:]
        sh = a * jax.nn.sigmoid(a) * b
        so = lax.dot_general(sh, wdn_ref[...], (((1,), (1,)), ((), ())),
                             preferred_element_type=jnp.float32,
                             precision=lax.Precision.DEFAULT)
        gate = jax.nn.sigmoid(
            lax.dot_general(xb, segw_ref[...], (((1,), (1,)), ((), ())),
                            preferred_element_type=jnp.float32))
        out_ref[...] = moe_ref[...] + gate * so

    return pl.pallas_call(
        body,
        grid=(T // TS,),
        in_specs=[
            pl.BlockSpec((TS, H), lambda i: (i, 0)),
            pl.BlockSpec(sh_gate_up.shape, lambda i: (0, 0)),
            pl.BlockSpec(sh_down.shape, lambda i: (0, 0)),
            pl.BlockSpec(seg_w.shape, lambda i: (0, 0)),
            pl.BlockSpec((TS, H), lambda i: (i, 0)),
        ],
        out_specs=pl.BlockSpec((TS, H), lambda i: (i, 0)),
        out_shape=jax.ShapeDtypeStruct((T, H), jnp.float32),
    )(x, sh_gate_up, sh_down, seg_w, moe)


def kernel(hidden_states, gate_w, ew_gate, ew_up, ew_down, sh_gate_up,
           sh_down, seg_w):
    orig_shape = hidden_states.shape
    H = orig_shape[-1]
    x = hidden_states.reshape(-1, H)
    T = x.shape[0]
    E = gate_w.shape[0]

    G = T // TM + E - 1
    pos, meta = _router(x, gate_w, G)
    xs = _sc_permute(x, pos, "scatter")
    moe_sorted = _gmm(meta, xs, ew_gate, ew_up, ew_down)
    moe = _sc_permute(moe_sorted, pos, "gather")
    out = _shared(x, sh_gate_up, sh_down, seg_w, moe)
    return out.reshape(orig_shape)

# --- scband reference (transcript-rebuilt; emitter-appended) ---
"""Pipeline reference for scband-qwen2-moe-sparse-moe-block-4054449127762 (READ-ONLY COPY).

The authoritative reference and input builder live on the scoring server;
editing this copy changes nothing except your own understanding.
"""

import jax, jax.numpy as jnp
import numpy as np

H = 768
E = 64
K = 1
DFF = 512
SFF = 2048


def setup_inputs(seed: int = 0) -> dict:
    key = jax.random.key(seed)
    ks = jax.random.split(key, 9)
    hidden_states = jax.random.normal(ks[0], (1, 2048, H), dtype=jnp.float32)
    gate_w = jax.random.normal(ks[1], (E, H), dtype=jnp.float32) * 0.02
    ew_gate = jax.random.normal(ks[2], (E, DFF, H), dtype=jnp.float32) * 0.02
    ew_up = jax.random.normal(ks[3], (E, DFF, H), dtype=jnp.float32) * 0.02
    ew_down = jax.random.normal(ks[4], (E, H, DFF), dtype=jnp.float32) * 0.02
    sh_gate_up = jax.random.normal(ks[5], (2 * SFF, H), dtype=jnp.float32) * 0.02
    sh_down = jax.random.normal(ks[6], (H, SFF), dtype=jnp.float32) * 0.02
    seg_w = jax.random.normal(ks[7], (1, H), dtype=jnp.float32) * 0.02
    return {
        'hidden_states': hidden_states,
        'gate_w': gate_w,
        'ew_gate': ew_gate,
        'ew_up': ew_up,
        'ew_down': ew_down,
        'sh_gate_up': sh_gate_up,
        'sh_down': sh_down,
        'seg_w': seg_w,
    }


def reference(hidden_states, gate_w, ew_gate, ew_up, ew_down, sh_gate_up, sh_down, seg_w):
    orig_shape = hidden_states.shape
    hidden_dim = orig_shape[-1]
    x = hidden_states.reshape(-1, hidden_dim)
    T = x.shape[0]
    # router (ReplicatedLinear gate, no bias)
    router_logits = x @ gate_w.T
    probs = jax.nn.softmax(router_logits, axis=-1)
    topk_vals, topk_idx = jax.lax.top_k(probs, K)
    # renormalize (norm_topk_prob=True)
    topk_vals = topk_vals / jnp.sum(topk_vals, axis=-1, keepdims=True)
    # combine weights [T, E] via scatter-add of top-k routing weights
    combine = jnp.zeros((T, E), dtype=x.dtype).at[jnp.arange(T)[:, None], topk_idx].add(topk_vals)
    # fused experts: gate_up projections + SiluAndMul + down projection
    hg = jnp.einsum('td,efd->etf', x, ew_gate)
    hu = jnp.einsum('td,efd->etf', x, ew_up)
    h = jax.nn.silu(hg) * hu
    eo = jnp.einsum('etf,edf->etd', h, ew_down)
    moe_out = jnp.einsum('etd,te->td', eo, combine)
    # shared expert MLP with sigmoid expert gate
    gu = x @ sh_gate_up.T
    sh = jax.nn.silu(gu[:, :SFF]) * gu[:, SFF:]
    sh_out = sh @ sh_down.T
    sh_out = jax.nn.sigmoid(x @ seg_w.T) * sh_out
    out = moe_out + sh_out
    return out.reshape(orig_shape)

if __name__ == "__main__":
    import jax
    _d = setup_inputs()
    print(jax.jit(kernel)(*tuple(_d.values())))

</pallas_src>

<mosaic_0001>
#map = affine_map<(d0, d1) -> (0, 0)>
#map1 = affine_map<(d0, d1) -> (0)>
module attributes {stable_mosaic.version = 14 : i64} {
  func.func @k(%arg0: i32, %arg1: i32, %arg2: memref<2048x768xf32, #tpu.memory_space<hbm>>, %arg3: memref<2048xi32, #tpu.memory_space<hbm>>, %arg4: memref<2048x768xf32, #tpu.memory_space<hbm>>, %arg5: memref<64xi32, #tpu.memory_space<vmem>>, %arg6: memref<64x768xf32, #tpu.memory_space<vmem>>, %arg7: memref<!tpu.dma_semaphore, #tpu.memory_space<semaphore_mem>>) attributes {dimension_semantics = [#tpu.dimension_semantics<core_parallel>, #tpu.dimension_semantics<subcore_parallel>], iteration_bounds = array<i64: 2, 16>, scalar_prefetch = 0 : i64, scratch_operands = 3 : i64, tpu.core_type = #tpu.core_type<sc_vector_subcore>, window_params = [{transform_indices = #map}, {transform_indices = #map1}, {transform_indices = #map}]} {
    %mul3A = arith.constant 2 : i32
    %mul3A_0 = arith.muli %arg1, %mul3A : i32
    %add3A = arith.addi %mul3A_0, %arg0 : i32
    %mul3A_1 = arith.constant 64 : i32
    %mul3A_2 = arith.muli %add3A, %mul3A_1 : i32
    "tpu.region"() ({
      %run_scoped3A = tpu.sem_alloc : memref<!tpu.dma_semaphore, #tpu.memory_space<semaphore_mem>>
      %dma_start3A_7 = tpu.memref_slice %arg3[%mul3A_2] : memref<2048xi32, #tpu.memory_space<hbm>> -> memref<64xi32, #tpu.memory_space<hbm>>
      %dma_start3A_8 = tpu.memref_slice %arg3[%mul3A_2] : memref<2048xi32, #tpu.memory_space<hbm>> -> memref<64xi32, #tpu.memory_space<hbm>>
      tpu.enqueue_dma source(%dma_start3A_8 : memref<64xi32, #tpu.memory_space<hbm>>) target(%arg5 : memref<64xi32, #tpu.memory_space<vmem>>) target_semaphore(%run_scoped3A : memref<!tpu.dma_semaphore, #tpu.memory_space<semaphore_mem>>)
      %dma_wait3A_9 = tpu.memref_slice %arg3[%mul3A_2] : memref<2048xi32, #tpu.memory_space<hbm>> -> memref<64xi32, #tpu.memory_space<hbm>>
      %dma_wait3A_10 = tpu.memref_slice %arg3[%mul3A_2] : memref<2048xi32, #tpu.memory_space<hbm>> -> memref<64xi32, #tpu.memory_space<hbm>>
      tpu.wait_dma2 semaphore(%run_scoped3A : memref<!tpu.dma_semaphore, #tpu.memory_space<semaphore_mem>>) src(%dma_wait3A_10 : memref<64xi32, #tpu.memory_space<hbm>>) dst(%arg5 : memref<64xi32, #tpu.memory_space<vmem>>)
      tpu.yield
    }) : () -> ()
    %dma_start3A = arith.constant 0 : i32
    %dma_start3A_3 = arith.constant 0 : i32
    %dma_start3A_4 = tpu.memref_slice %arg2[%dma_start3A, %dma_start3A_3] : memref<2048x768xf32, #tpu.memory_space<hbm>> -> memref<2048x768xf32, #tpu.memory_space<hbm>>
    tpu.enqueue_indirect_dma source(%dma_start3A_4 : memref<2048x768xf32, #tpu.memory_space<hbm>>) target(%arg6 : memref<64x768xf32, #tpu.memory_space<vmem>>) offsets(%arg5 : memref<64xi32, #tpu.memory_space<vmem>>) semaphore(%arg7 : memref<!tpu.dma_semaphore, #tpu.memory_space<semaphore_mem>>)
    %dma_wait3A = arith.constant 0 : i32
    %dma_wait3A_5 = arith.constant 0 : i32
    %dma_wait3A_6 = tpu.memref_slice %arg2[%dma_wait3A, %dma_wait3A_5] : memref<2048x768xf32, #tpu.memory_space<hbm>> -> memref<2048x768xf32, #tpu.memory_space<hbm>>
    tpu.wait_indirect_dma semaphore(%arg7 : memref<!tpu.dma_semaphore, #tpu.memory_space<semaphore_mem>>) src(%dma_wait3A_6 : memref<2048x768xf32, #tpu.memory_space<hbm>>) dst(%arg6 : memref<64x768xf32, #tpu.memory_space<vmem>>)
    "tpu.region"() ({
      %run_scoped3A = tpu.sem_alloc : memref<!tpu.dma_semaphore, #tpu.memory_space<semaphore_mem>>
      %dma_start3A_7 = arith.constant 0 : i32
      %dma_start3A_8 = tpu.memref_slice %arg4[%mul3A_2, %dma_start3A_7] : memref<2048x768xf32, #tpu.memory_space<hbm>> -> memref<64x768xf32, #tpu.memory_space<hbm>>
      %dma_start3A_9 = arith.constant 0 : i32
      %dma_start3A_10 = tpu.memref_slice %arg4[%mul3A_2, %dma_start3A_9] : memref<2048x768xf32, #tpu.memory_space<hbm>> -> memref<64x768xf32, #tpu.memory_space<hbm>>
      tpu.enqueue_dma source(%arg6 : memref<64x768xf32, #tpu.memory_space<vmem>>) target(%dma_start3A_10 : memref<64x768xf32, #tpu.memory_space<hbm>>) target_semaphore(%run_scoped3A : memref<!tpu.dma_semaphore, #tpu.memory_space<semaphore_mem>>)
      %dma_wait3A_11 = arith.constant 0 : i32
      %dma_wait3A_12 = tpu.memref_slice %arg4[%mul3A_2, %dma_wait3A_11] : memref<2048x768xf32, #tpu.memory_space<hbm>> -> memref<64x768xf32, #tpu.memory_space<hbm>>
      %dma_wait3A_13 = arith.constant 0 : i32
      %dma_wait3A_14 = tpu.memref_slice %arg4[%mul3A_2, %dma_wait3A_13] : memref<2048x768xf32, #tpu.memory_space<hbm>> -> memref<64x768xf32, #tpu.memory_space<hbm>>
      tpu.wait_dma2 semaphore(%run_scoped3A : memref<!tpu.dma_semaphore, #tpu.memory_space<semaphore_mem>>) src(%arg6 : memref<64x768xf32, #tpu.memory_space<vmem>>) dst(%dma_wait3A_14 : memref<64x768xf32, #tpu.memory_space<hbm>>)
      tpu.yield
    }) : () -> ()
    return
  }
}

#map = affine_map<(d0, d1) -> (0, 0)>
#map1 = affine_map<(d0, d1) -> (0)>
module attributes {stable_mosaic.version = 14 : i64} {
  func.func @k(%arg0: i32, %arg1: i32, %arg2: memref<2048x768xf32, #tpu.memory_space<hbm>>, %arg3: memref<2048xi32, #tpu.memory_space<hbm>>, %arg4: memref<2048x768xf32, #tpu.memory_space<hbm>>, %arg5: memref<64xi32, #tpu.memory_space<vmem>>, %arg6: memref<64x768xf32, #tpu.memory_space<vmem>>, %arg7: memref<!tpu.dma_semaphore, #tpu.memory_space<semaphore_mem>>) attributes {dimension_semantics = [#tpu.dimension_semantics<core_parallel>, #tpu.dimension_semantics<subcore_parallel>], iteration_bounds = array<i64: 2, 16>, scalar_prefetch = 0 : i64, scratch_operands = 3 : i64, tpu.core_type = #tpu.core_type<sc_vector_subcore>, window_params = [{transform_indices = #map}, {transform_indices = #map1}, {transform_indices = #map}]} {
    %mul3A = arith.constant 2 : i32
    %mul3A_0 = arith.muli %arg1, %mul3A : i32
    %add3A = arith.addi %mul3A_0, %arg0 : i32
    %mul3A_1 = arith.constant 64 : i32
    %mul3A_2 = arith.muli %add3A, %mul3A_1 : i32
    "tpu.region"() ({
      %run_scoped3A = tpu.sem_alloc : memref<!tpu.dma_semaphore, #tpu.memory_space<semaphore_mem>>
      %dma_start3A_7 = tpu.memref_slice %arg3[%mul3A_2] : memref<2048xi32, #tpu.memory_space<hbm>> -> memref<64xi32, #tpu.memory_space<hbm>>
      %dma_start3A_8 = tpu.memref_slice %arg3[%mul3A_2] : memref<2048xi32, #tpu.memory_space<hbm>> -> memref<64xi32, #tpu.memory_space<hbm>>
      tpu.enqueue_dma source(%dma_start3A_8 : memref<64xi32, #tpu.memory_space<hbm>>) target(%arg5 : memref<64xi32, #tpu.memory_space<vmem>>) target_semaphore(%run_scoped3A : memref<!tpu.dma_semaphore, #tpu.memory_space<semaphore_mem>>)
      %dma_wait3A_9 = tpu.memref_slice %arg3[%mul3A_2] : memref<2048xi32, #tpu.memory_space<hbm>> -> memref<64xi32, #tpu.memory_space<hbm>>
      %dma_wait3A_10 = tpu.memref_slice %arg3[%mul3A_2] : memref<2048xi32, #tpu.memory_space<hbm>> -> memref<64xi32, #tpu.memory_space<hbm>>
      tpu.wait_dma2 semaphore(%run_scoped3A : memref<!tpu.dma_semaphore, #tpu.memory_space<semaphore_mem>>) src(%dma_wait3A_10 : memref<64xi32, #tpu.memory_space<hbm>>) dst(%arg5 : memref<64xi32, #tpu.memory_space<vmem>>)
      tpu.yield
    }) : () -> ()
    "tpu.region"() ({
      %run_scoped3A = tpu.sem_alloc : memref<!tpu.dma_semaphore, #tpu.memory_space<semaphore_mem>>
      %dma_start3A_7 = arith.constant 0 : i32
      %dma_start3A_8 = tpu.memref_slice %arg2[%mul3A_2, %dma_start3A_7] : memref<2048x768xf32, #tpu.memory_space<hbm>> -> memref<64x768xf32, #tpu.memory_space<hbm>>
      %dma_start3A_9 = arith.constant 0 : i32
      %dma_start3A_10 = tpu.memref_slice %arg2[%mul3A_2, %dma_start3A_9] : memref<2048x768xf32, #tpu.memory_space<hbm>> -> memref<64x768xf32, #tpu.memory_space<hbm>>
      tpu.enqueue_dma source(%dma_start3A_10 : memref<64x768xf32, #tpu.memory_space<hbm>>) target(%arg6 : memref<64x768xf32, #tpu.memory_space<vmem>>) target_semaphore(%run_scoped3A : memref<!tpu.dma_semaphore, #tpu.memory_space<semaphore_mem>>)
      %dma_wait3A_11 = arith.constant 0 : i32
      %dma_wait3A_12 = tpu.memref_slice %arg2[%mul3A_2, %dma_wait3A_11] : memref<2048x768xf32, #tpu.memory_space<hbm>> -> memref<64x768xf32, #tpu.memory_space<hbm>>
      %dma_wait3A_13 = arith.constant 0 : i32
      %dma_wait3A_14 = tpu.memref_slice %arg2[%mul3A_2, %dma_wait3A_13] : memref<2048x768xf32, #tpu.memory_space<hbm>> -> memref<64x768xf32, #tpu.memory_space<hbm>>
      tpu.wait_dma2 semaphore(%run_scoped3A : memref<!tpu.dma_semaphore, #tpu.memory_space<semaphore_mem>>) src(%dma_wait3A_14 : memref<64x768xf32, #tpu.memory_space<hbm>>) dst(%arg6 : memref<64x768xf32, #tpu.memory_space<vmem>>)
      tpu.yield
    }) : () -> ()
    %dma_start3A = arith.constant 0 : i32
    %dma_start3A_3 = arith.constant 0 : i32
    %dma_start3A_4 = tpu.memref_slice %arg4[%dma_start3A, %dma_start3A_3] : memref<2048x768xf32, #tpu.memory_space<hbm>> -> memref<2048x768xf32, #tpu.memory_space<hbm>>
    tpu.enqueue_indirect_dma source(%arg6 : memref<64x768xf32, #tpu.memory_space<vmem>>) target(%dma_start3A_4 : memref<2048x768xf32, #tpu.memory_space<hbm>>) offsets(%arg5 : memref<64xi32, #tpu.memory_space<vmem>>) semaphore(%arg7 : memref<!tpu.dma_semaphore, #tpu.memory_space<semaphore_mem>>)
    %dma_wait3A = arith.constant 0 : i32
    %dma_wait3A_5 = arith.constant 0 : i32
    %dma_wait3A_6 = tpu.memref_slice %arg4[%dma_wait3A, %dma_wait3A_5] : memref<2048x768xf32, #tpu.memory_space<hbm>> -> memref<2048x768xf32, #tpu.memory_space<hbm>>
    tpu.wait_indirect_dma semaphore(%arg7 : memref<!tpu.dma_semaphore, #tpu.memory_space<semaphore_mem>>) src(%arg6 : memref<64x768xf32, #tpu.memory_space<vmem>>) dst(%dma_wait3A_6 : memref<2048x768xf32, #tpu.memory_space<hbm>>)
    return
  }
}

module attributes {stable_mosaic.version = 14 : i64} {
  func.func @body(%arg0: i32, %arg1: memref<256x768xf32, #tpu.memory_space<vmem>>, %arg2: memref<4096x768xf32, #tpu.memory_space<vmem>>, %arg3: memref<768x2048xf32, #tpu.memory_space<vmem>>, %arg4: memref<1x768xf32, #tpu.memory_space<vmem>>, %arg5: memref<256x768xf32, #tpu.memory_space<vmem>>, %arg6: memref<256x768xf32, #tpu.memory_space<vmem>>) attributes {dimension_semantics = [#tpu.dimension_semantics<arbitrary>], iteration_bounds = array<i64: 8>, scalar_prefetch = 0 : i64, scratch_operands = 0 : i64, tpu.core_type = #tpu.core_type<tc>, window_params = [{transform_indices = @transform_0, window_bounds = array<i64: 256, 768>}, {pipeline_mode = #tpu.pipeline_mode<synchronous>, transform_indices = @transform_1, window_bounds = array<i64: 4096, 768>}, {pipeline_mode = #tpu.pipeline_mode<synchronous>, transform_indices = @transform_2, window_bounds = array<i64: 768, 2048>}, {pipeline_mode = #tpu.pipeline_mode<synchronous>, transform_indices = @transform_3, window_bounds = array<i64: 1, 768>}, {transform_indices = @transform_4, window_bounds = array<i64: 256, 768>}, {transform_indices = @transform_5, window_bounds = array<i64: 256, 768>}]} {
    %get3A = arith.constant 0 : index
    %get3A_0 = arith.constant 0 : index
    %get3A_1 = vector.load %arg1[%get3A, %get3A_0] : memref<256x768xf32, #tpu.memory_space<vmem>>, vector<256x768xf32>
    %get3A_2 = arith.constant 0 : index
    %get3A_3 = arith.constant 0 : index
    %get3A_4 = vector.load %arg2[%get3A_2, %get3A_3] : memref<4096x768xf32, #tpu.memory_space<vmem>>, vector<4096x768xf32>
    %dot_general3A = arith.constant dense<0.000000e+00> : vector<256x4096xf32>
    %dot_general3A_5 = tpu.matmul %get3A_1, %get3A_4, %dot_general3A {dimension_numbers = #tpu.dot_dimension_numbers<[1], [1], [0], [0], [0, 0, 1, 0], [], []>, transpose_lhs_hint = false} : vector<256x768xf32>, vector<4096x768xf32>, vector<256x4096xf32> -> vector<256x4096xf32>
    %slice3A = vector.extract_strided_slice %dot_general3A_5 {offsets = [0, 0], sizes = [256, 2048], strides = [1, 1]} : vector<256x4096xf32> to vector<256x2048xf32>
    %slice3A_6 = vector.extract_strided_slice %dot_general3A_5 {offsets = [0, 2048], sizes = [256, 2048], strides = [1, 1]} : vector<256x4096xf32> to vector<256x2048xf32>
    %logistic3A = arith.negf %slice3A : vector<256x2048xf32>
    %logistic3A_7 = math.exp %logistic3A : vector<256x2048xf32>
    %logistic3A_8 = arith.constant 1.000000e+00 : f32
    %logistic3A_9 = vector.broadcast %logistic3A_8 : f32 to vector<256x2048xf32>
    %logistic3A_10 = arith.addf %logistic3A_9, %logistic3A_7 : vector<256x2048xf32>
    %logistic3A_11 = arith.divf %logistic3A_9, %logistic3A_10 : vector<256x2048xf32>
    %mul3A = arith.mulf %slice3A, %logistic3A_11 : vector<256x2048xf32>
    %mul3A_12 = arith.mulf %mul3A, %slice3A_6 : vector<256x2048xf32>
    %get3A_13 = arith.constant 0 : index
    %get3A_14 = arith.constant 0 : index
    %get3A_15 = vector.load %arg3[%get3A_13, %get3A_14] : memref<768x2048xf32, #tpu.memory_space<vmem>>, vector<768x2048xf32>
    %dot_general3A_16 = arith.constant dense<0.000000e+00> : vector<256x768xf32>
    %dot_general3A_17 = tpu.matmul %mul3A_12, %get3A_15, %dot_general3A_16 {dimension_numbers = #tpu.dot_dimension_numbers<[1], [1], [0], [0], [0, 0, 1, 0], [], []>, transpose_lhs_hint = false} : vector<256x2048xf32>, vector<768x2048xf32>, vector<256x768xf32> -> vector<256x768xf32>
    %get3A_18 = arith.constant 0 : index
    %get3A_19 = arith.constant 0 : index
    %get3A_20 = vector.load %arg4[%get3A_18, %get3A_19] : memref<1x768xf32, #tpu.memory_space<vmem>>, vector<1x768xf32>
    %dot_general3A_21 = arith.constant dense<0.000000e+00> : vector<256x1xf32>
    %dot_general3A_22 = tpu.matmul %get3A_1, %get3A_20, %dot_general3A_21 {dimension_numbers = #tpu.dot_dimension_numbers<[1], [1], [0], [0], [0, 0, 1, 0], [], []>, transpose_lhs_hint = false} : vector<256x768xf32>, vector<1x768xf32>, vector<256x1xf32> -> vector<256x1xf32>
    %logistic3A_23 = arith.negf %dot_general3A_22 : vector<256x1xf32>
    %logistic3A_24 = math.exp %logistic3A_23 : vector<256x1xf32>
    %logistic3A_25 = arith.constant 1.000000e+00 : f32
    %logistic3A_26 = vector.broadcast %logistic3A_25 : f32 to vector<256x1xf32>
    %logistic3A_27 = arith.addf %logistic3A_26, %logistic3A_24 : vector<256x1xf32>
    %logistic3A_28 = arith.divf %logistic3A_26, %logistic3A_27 : vector<256x1xf32>
    %get3A_29 = arith.constant 0 : index
    %get3A_30 = arith.constant 0 : index
    %get3A_31 = vector.load %arg5[%get3A_29, %get3A_30] : memref<256x768xf32, #tpu.memory_space<vmem>>, vector<256x768xf32>
    %mul3A_32 = vector.broadcast %logistic3A_28 : vector<256x1xf32> to vector<256x768xf32>
    %mul3A_33 = arith.mulf %mul3A_32, %dot_general3A_17 : vector<256x768xf32>
    %add3A = arith.addf %get3A_31, %mul3A_33 : vector<256x768xf32>
    %swap3A = arith.constant 0 : index
    %swap3A_34 = arith.constant 0 : index
    %swap3A_35 = vector.load %arg6[%swap3A, %swap3A_34] : memref<256x768xf32, #tpu.memory_space<vmem>>, vector<256x768xf32>
    tpu.vector_store %arg6[%swap3A, %swap3A_34], %add3A {strides = array<i32>} : memref<256x768xf32, #tpu.memory_space<vmem>>, vector<256x768xf32>,
    return
  }
  func.func @transform_0(%arg0: i32) -> (i32, i32) {
    %c0_i32 = arith.constant 0 : i32
    %c0_i32_0 = arith.constant 0 : i32
    return %arg0, %c0_i32 : i32, i32
  }
  func.func @transform_1(%arg0: i32) -> (i32, i32) {
    %c0_i32 = arith.constant 0 : i32
    %c0_i32_0 = arith.constant 0 : i32
    %c0_i32_1 = arith.constant 0 : i32
    return %c0_i32, %c0_i32_0 : i32, i32
  }
  func.func @transform_2(%arg0: i32) -> (i32, i32) {
    %c0_i32 = arith.constant 0 : i32
    %c0_i32_0 = arith.constant 0 : i32
    %c0_i32_1 = arith.constant 0 : i32
    return %c0_i32, %c0_i32_0 : i32, i32
  }
  func.func @transform_3(%arg0: i32) -> (i32, i32) {
    %c0_i32 = arith.constant 0 : i32
    %c0_i32_0 = arith.constant 0 : i32
    %c0_i32_1 = arith.constant 0 : i32
    return %c0_i32, %c0_i32_0 : i32, i32
  }
  func.func @transform_4(%arg0: i32) -> (i32, i32) {
    %c0_i32 = arith.constant 0 : i32
    %c0_i32_0 = arith.constant 0 : i32
    return %arg0, %c0_i32 : i32, i32
  }
  func.func @transform_5(%arg0: i32) -> (i32, i32) {
    %c0_i32 = arith.constant 0 : i32
    %c0_i32_0 = arith.constant 0 : i32
    return %arg0, %c0_i32 : i32, i32
  }
}

module attributes {stable_mosaic.version = 14 : i64} {
  func.func @body(%arg0: i32, %arg1: memref<79x5xi32, #tpu.memory_space<smem>>, %arg2: memref<128x768xf32, #tpu.memory_space<vmem>>, %arg3: memref<1x512x768xf32, #tpu.memory_space<vmem>>, %arg4: memref<1x512x768xf32, #tpu.memory_space<vmem>>, %arg5: memref<1x768x512xf32, #tpu.memory_space<vmem>>, %arg6: memref<128x768xf32, #tpu.memory_space<vmem>>) attributes {dimension_semantics = [#tpu.dimension_semantics<arbitrary>], iteration_bounds = array<i64: 79>, scalar_prefetch = 1 : i64, scratch_operands = 0 : i64, tpu.core_type = #tpu.core_type<tc>, window_params = [{transform_indices = @transform_0, window_bounds = array<i64: 128, 768>}, {transform_indices = @transform_1, window_bounds = array<i64: 1, 512, 768>}, {transform_indices = @transform_2, window_bounds = array<i64: 1, 512, 768>}, {transform_indices = @transform_3, window_bounds = array<i64: 1, 768, 512>}, {transform_indices = @transform_4, window_bounds = array<i64: 128, 768>}]} {
    %get3A = arith.index_cast %arg0 : i32 to index
    %get3A_0 = arith.constant 2 : index
    %get3A_1 = memref.load %arg1[%get3A, %get3A_0] : memref<79x5xi32, #tpu.memory_space<smem>>
    %get3A_2 = arith.index_cast %arg0 : i32 to index
    %get3A_3 = arith.constant 3 : index
    %get3A_4 = memref.load %arg1[%get3A_2, %get3A_3] : memref<79x5xi32, #tpu.memory_space<smem>>
    %get3A_5 = arith.index_cast %arg0 : i32 to index
    %get3A_6 = arith.constant 4 : index
    %get3A_7 = memref.load %arg1[%get3A_5, %get3A_6] : memref<79x5xi32, #tpu.memory_space<smem>>
    %get3A_8 = arith.constant 0 : index
    %get3A_9 = arith.constant 0 : index
    %get3A_10 = vector.load %arg2[%get3A_8, %get3A_9] : memref<128x768xf32, #tpu.memory_space<vmem>>, vector<128x768xf32>
    %get3A_11 = arith.constant 0 : index
    %get3A_12 = arith.constant 0 : index
    %get3A_13 = arith.constant 0 : index
    %get3A_14 = vector.load %arg3[%get3A_11, %get3A_12, %get3A_13] : memref<1x512x768xf32, #tpu.memory_space<vmem>>, vector<1x512x768xf32>
    %get3A_15 = vector.shape_cast %get3A_14 : vector<1x512x768xf32> to vector<512x768xf32>
    %dot_general3A = arith.constant dense<0.000000e+00> : vector<128x512xf32>
    %dot_general3A_16 = tpu.matmul %get3A_10, %get3A_15, %dot_general3A {dimension_numbers = #tpu.dot_dimension_numbers<[1], [1], [0], [0], [0, 0, 1, 0], [], []>, transpose_lhs_hint = false} : vector<128x768xf32>, vector<512x768xf32>, vector<128x512xf32> -> vector<128x512xf32>
    %get3A_17 = arith.constant 0 : index
    %get3A_18 = arith.constant 0 : index
    %get3A_19 = arith.constant 0 : index
    %get3A_20 = vector.load %arg4[%get3A_17, %get3A_18, %get3A_19] : memref<1x512x768xf32, #tpu.memory_space<vmem>>, vector<1x512x768xf32>
    %get3A_21 = vector.shape_cast %get3A_20 : vector<1x512x768xf32> to vector<512x768xf32>
    %dot_general3A_22 = arith.constant dense<0.000000e+00> : vector<128x512xf32>
    %dot_general3A_23 = tpu.matmul %get3A_10, %get3A_21, %dot_general3A_22 {dimension_numbers = #tpu.dot_dimension_numbers<[1], [1], [0], [0], [0, 0, 1, 0], [], []>, transpose_lhs_hint = false} : vector<128x768xf32>, vector<512x768xf32>, vector<128x512xf32> -> vector<128x512xf32>
    %logistic3A = arith.negf %dot_general3A_16 : vector<128x512xf32>
    %logistic3A_24 = math.exp %logistic3A : vector<128x512xf32>
    %logistic3A_25 = arith.constant 1.000000e+00 : f32
    %logistic3A_26 = vector.broadcast %logistic3A_25 : f32 to vector<128x512xf32>
    %logistic3A_27 = arith.addf %logistic3A_26, %logistic3A_24 : vector<128x512xf32>
    %logistic3A_28 = arith.divf %logistic3A_26, %logistic3A_27 : vector<128x512xf32>
    %mul3A = arith.mulf %dot_general3A_16, %logistic3A_28 : vector<128x512xf32>
    %mul3A_29 = arith.mulf %mul3A, %dot_general3A_23 : vector<128x512xf32>
    %get3A_30 = arith.constant 0 : index
    %get3A_31 = arith.constant 0 : index
    %get3A_32 = arith.constant 0 : index
    %get3A_33 = vector.load %arg5[%get3A_30, %get3A_31, %get3A_32] : memref<1x768x512xf32, #tpu.memory_space<vmem>>, vector<1x768x512xf32>
    %get3A_34 = vector.shape_cast %get3A_33 : vector<1x768x512xf32> to vector<768x512xf32>
    %dot_general3A_35 = arith.constant dense<0.000000e+00> : vector<128x768xf32>
    %dot_general3A_36 = tpu.matmul %mul3A_29, %get3A_34, %dot_general3A_35 {dimension_numbers = #tpu.dot_dimension_numbers<[1], [1], [0], [0], [0, 0, 1, 0], [], []>, transpose_lhs_hint = false} : vector<128x512xf32>, vector<768x512xf32>, vector<128x768xf32> -> vector<128x768xf32>
    %iota3A = tpu.iota {dimensions = array<i32: 0>} : vector<128x1xi32>
    %ge3A = vector.broadcast %get3A_1 : i32 to vector<128x1xi32>
    %ge3A_37 = arith.cmpi sge, %iota3A, %ge3A : vector<128x1xi32>
    %lt3A = vector.broadcast %get3A_4 : i32 to vector<128x1xi32>
    %lt3A_38 = arith.cmpi slt, %iota3A, %lt3A : vector<128x1xi32>
    %and3A = arith.andi %ge3A_37, %lt3A_38 : vector<128x1xi1>
    %eq3A = arith.constant 1 : i32
    %eq3A_39 = arith.cmpi eq, %get3A_7, %eq3A : i32
    %convert_element_type3A = arith.extui %eq3A_39 : i1 to i32
    %cond3A = arith.constant 0 : i32
    %cond3A_40 = arith.cmpi ne, %convert_element_type3A, %cond3A : i32
    scf.if %cond3A_40 {
      %jit3A = arith.constant 0.000000e+00 : f32
      %broadcast_in_dim3A = vector.shape_cast %and3A : vector<128x1xi1> to vector<128x1xi1>
      %broadcast_in_dim3A_46 = vector.broadcast %broadcast_in_dim3A : vector<128x1xi1> to vector<128x768xi1>
      %broadcast_in_dim3A_47 = vector.broadcast %jit3A : f32 to vector<128x768xf32>
      %select_n3A = arith.select %broadcast_in_dim3A_46, %dot_general3A_36, %broadcast_in_dim3A_47 : vector<128x768xi1>, vector<128x768xf32>
      %swap3A = arith.constant 0 : index
      %swap3A_48 = arith.constant 0 : index
      %swap3A_49 = vector.load %arg6[%swap3A, %swap3A_48] : memref<128x768xf32, #tpu.memory_space<vmem>>, vector<128x768xf32>
      tpu.vector_store %arg6[%swap3A, %swap3A_48], %select_n3A {strides = array<i32>} : memref<128x768xf32, #tpu.memory_space<vmem>>, vector<128x768xf32>,
    } else {
    }
    %eq3A_41 = arith.constant 0 : i32
    %eq3A_42 = arith.cmpi eq, %get3A_7, %eq3A_41 : i32
    %convert_element_type3A_43 = arith.extui %eq3A_42 : i1 to i32
    %cond3A_44 = arith.constant 0 : i32
    %cond3A_45 = arith.cmpi ne, %convert_element_type3A_43, %cond3A_44 : i32
    scf.if %cond3A_45 {
      %get3A_46 = arith.constant 0 : index
      %get3A_47 = arith.constant 0 : index
      %get3A_48 = vector.load %arg6[%get3A_46, %get3A_47] : memref<128x768xf32, #tpu.memory_space<vmem>>, vector<128x768xf32>
      %broadcast_in_dim3A = vector.shape_cast %and3A : vector<128x1xi1> to vector<128x1xi1>
      %broadcast_in_dim3A_49 = vector.broadcast %broadcast_in_dim3A : vector<128x1xi1> to vector<128x768xi1>
      %select_n3A = arith.select %broadcast_in_dim3A_49, %dot_general3A_36, %get3A_48 : vector<128x768xi1>, vector<128x768xf32>
      %swap3A = arith.constant 0 : index
      %swap3A_50 = arith.constant 0 : index
      %swap3A_51 = vector.load %arg6[%swap3A, %swap3A_50] : memref<128x768xf32, #tpu.memory_space<vmem>>, vector<128x768xf32>
      tpu.vector_store %arg6[%swap3A, %swap3A_50], %select_n3A {strides = array<i32>} : memref<128x768xf32, #tpu.memory_space<vmem>>, vector<128x768xf32>,
    } else {
    }
    return
  }
  func.func @transform_0(%arg0: i32, %arg1: memref<79x5xi32, #tpu.memory_space<smem>>) -> (i32, i32) {
    %get3A = arith.index_cast %arg0 : i32 to index
    %get3A_0 = arith.constant 1 : index
    %get3A_1 = memref.load %arg1[%get3A, %get3A_0] : memref<79x5xi32, #tpu.memory_space<smem>>
    %c0_i32 = arith.constant 0 : i32
    %c0_i32_2 = arith.constant 0 : i32
    return %get3A_1, %c0_i32 : i32, i32
  }
  func.func @transform_1(%arg0: i32, %arg1: memref<79x5xi32, #tpu.memory_space<smem>>) -> (i32, i32, i32) {
    %get3A = arith.index_cast %arg0 : i32 to index
    %get3A_0 = arith.constant 0 : index
    %get3A_1 = memref.load %arg1[%get3A, %get3A_0] : memref<79x5xi32, #tpu.memory_space<smem>>
    %c0_i32 = arith.constant 0 : i32
    %c0_i32_2 = arith.constant 0 : i32
    %c0_i32_3 = arith.constant 0 : i32
    return %get3A_1, %c0_i32, %c0_i32_2 : i32, i32, i32
  }
  func.func @transform_2(%arg0: i32, %arg1: memref<79x5xi32, #tpu.memory_space<smem>>) -> (i32, i32, i32) {
    %get3A = arith.index_cast %arg0 : i32 to index
    %get3A_0 = arith.constant 0 : index
    %get3A_1 = memref.load %arg1[%get3A, %get3A_0] : memref<79x5xi32, #tpu.memory_space<smem>>
    %c0_i32 = arith.constant 0 : i32
    %c0_i32_2 = arith.constant 0 : i32
    %c0_i32_3 = arith.constant 0 : i32
    return %get3A_1, %c0_i32, %c0_i32_2 : i32, i32, i32
  }
  func.func @transform_3(%arg0: i32, %arg1: memref<79x5xi32, #tpu.memory_space<smem>>) -> (i32, i32, i32) {
    %get3A = arith.index_cast %arg0 : i32 to index
    %get3A_0 = arith.constant 0 : index
    %get3A_1 = memref.load %arg1[%get3A, %get3A_0] : memref<79x5xi32, #tpu.memory_space<smem>>
    %c0_i32 = arith.constant 0 : i32
    %c0_i32_2 = arith.constant 0 : i32
    %c0_i32_3 = arith.constant 0 : i32
    return %get3A_1, %c0_i32, %c0_i32_2 : i32, i32, i32
  }
  func.func @transform_4(%arg0: i32, %arg1: memref<79x5xi32, #tpu.memory_space<smem>>) -> (i32, i32) {
    %get3A = arith.index_cast %arg0 : i32 to index
    %get3A_0 = arith.constant 1 : index
    %get3A_1 = memref.load %arg1[%get3A, %get3A_0] : memref<79x5xi32, #tpu.memory_space<smem>>
    %c0_i32 = arith.constant 0 : i32
    %c0_i32_2 = arith.constant 0 : i32
    return %get3A_1, %c0_i32 : i32, i32
  }
}

module attributes {stable_mosaic.version = 14 : i64} {
  func.func @_router_body(%arg0: memref<2048x768xf32, #tpu.memory_space<vmem>>, %arg1: memref<64x768xf32, #tpu.memory_space<vmem>>, %arg2: memref<2048xi32, #tpu.memory_space<vmem>>, %arg3: memref<79x5xi32, #tpu.memory_space<vmem>>) attributes {dimension_semantics = [], scalar_prefetch = 0 : i64, scratch_operands = 0 : i64, tpu.core_type = #tpu.core_type<tc>} {
    %get3A = arith.constant 0 : index
    %get3A_0 = arith.constant 0 : index
    %get3A_1 = vector.load %arg0[%get3A, %get3A_0] : memref<2048x768xf32, #tpu.memory_space<vmem>>, vector<2048x768xf32>
    %get3A_2 = arith.constant 0 : index
    %get3A_3 = arith.constant 0 : index
    %get3A_4 = vector.load %arg1[%get3A_2, %get3A_3] : memref<64x768xf32, #tpu.memory_space<vmem>>, vector<64x768xf32>
    %dot_general3A = arith.constant dense<0.000000e+00> : vector<2048x64xf32>
    %dot_general3A_5 = tpu.matmul %get3A_1, %get3A_4, %dot_general3A {dimension_numbers = #tpu.dot_dimension_numbers<[1], [1], [0], [0], [0, 0, 1, 0], [], []>, transpose_lhs_hint = false} : vector<2048x768xf32>, vector<64x768xf32>, vector<2048x64xf32> -> vector<2048x64xf32>
    %reduce_max3A = arith.constant dense<0xFF800000> : vector<2048xf32>
    %reduce_max3A_6 = vector.multi_reduction <maximumf>, %dot_general3A_5, %reduce_max3A [1] : vector<2048x64xf32> to vector<2048xf32>
    %broadcast_in_dim3A = vector.shape_cast %reduce_max3A_6 : vector<2048xf32> to vector<2048x1xf32>
    %iota3A = tpu.iota {dimensions = array<i32: 1>} : vector<2048x64xi32>
    %ge3A = vector.broadcast %broadcast_in_dim3A : vector<2048x1xf32> to vector<2048x64xf32>
    %ge3A_7 = arith.cmpf oge, %dot_general3A_5, %ge3A : vector<2048x64xf32>
    %jit3A = arith.constant 64 : i32
    %broadcast_in_dim3A_8 = vector.broadcast %jit3A : i32 to vector<2048x64xi32>
    %select_n3A = arith.select %ge3A_7, %iota3A, %broadcast_in_dim3A_8 : vector<2048x64xi1>, vector<2048x64xi32>
    %reduce_min3A = arith.constant dense<2147483647> : vector<2048xi32>
    %reduce_min3A_9 = vector.multi_reduction <minsi>, %select_n3A, %reduce_min3A [1] : vector<2048x64xi32> to vector<2048xi32>
    %broadcast_in_dim3A_10 = vector.shape_cast %reduce_min3A_9 : vector<2048xi32> to vector<2048x1xi32>
    %eq3A = vector.broadcast %broadcast_in_dim3A_10 : vector<2048x1xi32> to vector<2048x64xi32>
    %eq3A_11 = arith.cmpi eq, %iota3A, %eq3A : vector<2048x64xi32>
    %convert_element_type3A = arith.extui %eq3A_11 : vector<2048x64xi1> to vector<2048x64xi32>
    %convert_element_type3A_12 = arith.sitofp %convert_element_type3A : vector<2048x64xi32> to vector<2048x64xf32>
    %iota3A_13 = tpu.iota {dimensions = array<i32: 0>} : vector<256x256xi32>
    %iota3A_14 = tpu.iota {dimensions = array<i32: 1>} : vector<256x256xi32>
    %ge3A_15 = arith.cmpi sge, %iota3A_13, %iota3A_14 : vector<256x256xi32>
    %convert_element_type3A_16 = arith.extui %ge3A_15 : vector<256x256xi1> to vector<256x256xi32>
    %convert_element_type3A_17 = arith.sitofp %convert_element_type3A_16 : vector<256x256xi32> to vector<256x256xf32>
    %broadcast_in_dim3A_18 = arith.constant 0.000000e+00 : f32
    %broadcast_in_dim3A_19 = vector.broadcast %broadcast_in_dim3A_18 : f32 to vector<1x64xf32>
    %slice3A = vector.extract_strided_slice %convert_element_type3A_12 {offsets = [0, 0], sizes = [256, 64], strides = [1, 1]} : vector<2048x64xf32> to vector<256x64xf32>
    %dot_general3A_20 = arith.constant dense<0.000000e+00> : vector<256x64xf32>
    %dot_general3A_21 = tpu.matmul %convert_element_type3A_17, %slice3A, %dot_general3A_20 {dimension_numbers = #tpu.dot_dimension_numbers<[1], [0], [0], [1], [0, 0, 1, 1], [], []>, transpose_lhs_hint = false} : vector<256x256xf32>, vector<256x64xf32>, vector<256x64xf32> -> vector<256x64xf32>
    %add3A = vector.broadcast %broadcast_in_dim3A_19 : vector<1x64xf32> to vector<256x64xf32>
    %add3A_22 = arith.addf %dot_general3A_21, %add3A : vector<256x64xf32>
    %reduce_sum3A = arith.constant dense<0.000000e+00> : vector<64xf32>
    %reduce_sum3A_23 = vector.multi_reduction <add>, %slice3A, %reduce_sum3A [0] : vector<256x64xf32> to vector<64xf32>
    %broadcast_in_dim3A_24 = vector.shape_cast %reduce_sum3A_23 : vector<64xf32> to vector<1x64xf32>
    %add3A_25 = arith.addf %broadcast_in_dim3A_19, %broadcast_in_dim3A_24 : vector<1x64xf32>
    %slice3A_26 = vector.extract_strided_slice %convert_element_type3A_12 {offsets = [256, 0], sizes = [256, 64], strides = [1, 1]} : vector<2048x64xf32> to vector<256x64xf32>
    %dot_general3A_27 = arith.constant dense<0.000000e+00> : vector<256x64xf32>
    %dot_general3A_28 = tpu.matmul %convert_element_type3A_17, %slice3A_26, %dot_general3A_27 {dimension_numbers = #tpu.dot_dimension_numbers<[1], [0], [0], [1], [0, 0, 1, 1], [], []>, transpose_lhs_hint = false} : vector<256x256xf32>, vector<256x64xf32>, vector<256x64xf32> -> vector<256x64xf32>
    %add3A_29 = vector.broadcast %add3A_25 : vector<1x64xf32> to vector<256x64xf32>
    %add3A_30 = arith.addf %dot_general3A_28, %add3A_29 : vector<256x64xf32>
    %reduce_sum3A_31 = arith.constant dense<0.000000e+00> : vector<64xf32>
    %reduce_sum3A_32 = vector.multi_reduction <add>, %slice3A_26, %reduce_sum3A_31 [0] : vector<256x64xf32> to vector<64xf32>
    %broadcast_in_dim3A_33 = vector.shape_cast %reduce_sum3A_32 : vector<64xf32> to vector<1x64xf32>
    %add3A_34 = arith.addf %add3A_25, %broadcast_in_dim3A_33 : vector<1x64xf32>
    %slice3A_35 = vector.extract_strided_slice %convert_element_type3A_12 {offsets = [512, 0], sizes = [256, 64], strides = [1, 1]} : vector<2048x64xf32> to vector<256x64xf32>
    %dot_general3A_36 = arith.constant dense<0.000000e+00> : vector<256x64xf32>
    %dot_general3A_37 = tpu.matmul %convert_element_type3A_17, %slice3A_35, %dot_general3A_36 {dimension_numbers = #tpu.dot_dimension_numbers<[1], [0], [0], [1], [0, 0, 1, 1], [], []>, transpose_lhs_hint = false} : vector<256x256xf32>, vector<256x64xf32>, vector<256x64xf32> -> vector<256x64xf32>
    %add3A_38 = vector.broadcast %add3A_34 : vector<1x64xf32> to vector<256x64xf32>
    %add3A_39 = arith.addf %dot_general3A_37, %add3A_38 : vector<256x64xf32>
    %reduce_sum3A_40 = arith.constant dense<0.000000e+00> : vector<64xf32>
    %reduce_sum3A_41 = vector.multi_reduction <add>, %slice3A_35, %reduce_sum3A_40 [0] : vector<256x64xf32> to vector<64xf32>
    %broadcast_in_dim3A_42 = vector.shape_cast %reduce_sum3A_41 : vector<64xf32> to vector<1x64xf32>
    %add3A_43 = arith.addf %add3A_34, %broadcast_in_dim3A_42 : vector<1x64xf32>
    %slice3A_44 = vector.extract_strided_slice %convert_element_type3A_12 {offsets = [768, 0], sizes = [256, 64], strides = [1, 1]} : vector<2048x64xf32> to vector<256x64xf32>
    %dot_general3A_45 = arith.constant dense<0.000000e+00> : vector<256x64xf32>
    %dot_general3A_46 = tpu.matmul %convert_element_type3A_17, %slice3A_44, %dot_general3A_45 {dimension_numbers = #tpu.dot_dimension_numbers<[1], [0], [0], [1], [0, 0, 1, 1], [], []>, transpose_lhs_hint = false} : vector<256x256xf32>, vector<256x64xf32>, vector<256x64xf32> -> vector<256x64xf32>
    %add3A_47 = vector.broadcast %add3A_43 : vector<1x64xf32> to vector<256x64xf32>
    %add3A_48 = arith.addf %dot_general3A_46, %add3A_47 : vector<256x64xf32>
    %reduce_sum3A_49 = arith.constant dense<0.000000e+00> : vector<64xf32>
    %reduce_sum3A_50 = vector.multi_reduction <add>, %slice3A_44, %reduce_sum3A_49 [0] : vector<256x64xf32> to vector<64xf32>
    %broadcast_in_dim3A_51 = vector.shape_cast %reduce_sum3A_50 : vector<64xf32> to vector<1x64xf32>
    %add3A_52 = arith.addf %add3A_43, %broadcast_in_dim3A_51 : vector<1x64xf32>
    %slice3A_53 = vector.extract_strided_slice %convert_element_type3A_12 {offsets = [1024, 0], sizes = [256, 64], strides = [1, 1]} : vector<2048x64xf32> to vector<256x64xf32>
    %dot_general3A_54 = arith.constant dense<0.000000e+00> : vector<256x64xf32>
    %dot_general3A_55 = tpu.matmul %convert_element_type3A_17, %slice3A_53, %dot_general3A_54 {dimension_numbers = #tpu.dot_dimension_numbers<[1], [0], [0], [1], [0, 0, 1, 1], [], []>, transpose_lhs_hint = false} : vector<256x256xf32>, vector<256x64xf32>, vector<256x64xf32> -> vector<256x64xf32>
    %add3A_56 = vector.broadcast %add3A_52 : vector<1x64xf32> to vector<256x64xf32>
    %add3A_57 = arith.addf %dot_general3A_55, %add3A_56 : vector<256x64xf32>
    %reduce_sum3A_58 = arith.constant dense<0.000000e+00> : vector<64xf32>
    %reduce_sum3A_59 = vector.multi_reduction <add>, %slice3A_53, %reduce_sum3A_58 [0] : vector<256x64xf32> to vector<64xf32>
    %broadcast_in_dim3A_60 = vector.shape_cast %reduce_sum3A_59 : vector<64xf32> to vector<1x64xf32>
    %add3A_61 = arith.addf %add3A_52, %broadcast_in_dim3A_60 : vector<1x64xf32>
    %slice3A_62 = vector.extract_strided_slice %convert_element_type3A_12 {offsets = [1280, 0], sizes = [256, 64], strides = [1, 1]} : vector<2048x64xf32> to vector<256x64xf32>
    %dot_general3A_63 = arith.constant dense<0.000000e+00> : vector<256x64xf32>
    %dot_general3A_64 = tpu.matmul %convert_element_type3A_17, %slice3A_62, %dot_general3A_63 {dimension_numbers = #tpu.dot_dimension_numbers<[1], [0], [0], [1], [0, 0, 1, 1], [], []>, transpose_lhs_hint = false} : vector<256x256xf32>, vector<256x64xf32>, vector<256x64xf32> -> vector<256x64xf32>
    %add3A_65 = vector.broadcast %add3A_61 : vector<1x64xf32> to vector<256x64xf32>
    %add3A_66 = arith.addf %dot_general3A_64, %add3A_65 : vector<256x64xf32>
    %reduce_sum3A_67 = arith.constant dense<0.000000e+00> : vector<64xf32>
    %reduce_sum3A_68 = vector.multi_reduction <add>, %slice3A_62, %reduce_sum3A_67 [0] : vector<256x64xf32> to vector<64xf32>
    %broadcast_in_dim3A_69 = vector.shape_cast %reduce_sum3A_68 : vector<64xf32> to vector<1x64xf32>
    %add3A_70 = arith.addf %add3A_61, %broadcast_in_dim3A_69 : vector<1x64xf32>
    %slice3A_71 = vector.extract_strided_slice %convert_element_type3A_12 {offsets = [1536, 0], sizes = [256, 64], strides = [1, 1]} : vector<2048x64xf32> to vector<256x64xf32>
    %dot_general3A_72 = arith.constant dense<0.000000e+00> : vector<256x64xf32>
    %dot_general3A_73 = tpu.matmul %convert_element_type3A_17, %slice3A_71, %dot_general3A_72 {dimension_numbers = #tpu.dot_dimension_numbers<[1], [0], [0], [1], [0, 0, 1, 1], [], []>, transpose_lhs_hint = false} : vector<256x256xf32>, vector<256x64xf32>, vector<256x64xf32> -> vector<256x64xf32>
    %add3A_74 = vector.broadcast %add3A_70 : vector<1x64xf32> to vector<256x64xf32>
    %add3A_75 = arith.addf %dot_general3A_73, %add3A_74 : vector<256x64xf32>
    %reduce_sum3A_76 = arith.constant dense<0.000000e+00> : vector<64xf32>
    %reduce_sum3A_77 = vector.multi_reduction <add>, %slice3A_71, %reduce_sum3A_76 [0] : vector<256x64xf32> to vector<64xf32>
    %broadcast_in_dim3A_78 = vector.shape_cast %reduce_sum3A_77 : vector<64xf32> to vector<1x64xf32>
    %add3A_79 = arith.addf %add3A_70, %broadcast_in_dim3A_78 : vector<1x64xf32>
    %slice3A_80 = vector.extract_strided_slice %convert_element_type3A_12 {offsets = [1792, 0], sizes = [256, 64], strides = [1, 1]} : vector<2048x64xf32> to vector<256x64xf32>
    %dot_general3A_81 = arith.constant dense<0.000000e+00> : vector<256x64xf32>
    %dot_general3A_82 = tpu.matmul %convert_element_type3A_17, %slice3A_80, %dot_general3A_81 {dimension_numbers = #tpu.dot_dimension_numbers<[1], [0], [0], [1], [0, 0, 1, 1], [], []>, transpose_lhs_hint = false} : vector<256x256xf32>, vector<256x64xf32>, vector<256x64xf32> -> vector<256x64xf32>
    %add3A_83 = vector.broadcast %add3A_79 : vector<1x64xf32> to vector<256x64xf32>
    %add3A_84 = arith.addf %dot_general3A_82, %add3A_83 : vector<256x64xf32>
    %reduce_sum3A_85 = arith.constant dense<0.000000e+00> : vector<64xf32>
    %reduce_sum3A_86 = vector.multi_reduction <add>, %slice3A_80, %reduce_sum3A_85 [0] : vector<256x64xf32> to vector<64xf32>
    %broadcast_in_dim3A_87 = vector.shape_cast %reduce_sum3A_86 : vector<64xf32> to vector<1x64xf32>
    %add3A_88 = arith.addf %add3A_79, %broadcast_in_dim3A_87 : vector<1x64xf32>
    %concatenate3A = tpu.concatenate %add3A_22, %add3A_30, %add3A_39, %add3A_48, %add3A_57, %add3A_66, %add3A_75, %add3A_84 in 0 : vector<256x64xf32>, vector<256x64xf32>, vector<256x64xf32>, vector<256x64xf32>, vector<256x64xf32>, vector<256x64xf32>, vector<256x64xf32>, vector<256x64xf32> -> vector<2048x64xf32>
    %mul3A = arith.mulf %convert_element_type3A_12, %concatenate3A : vector<2048x64xf32>
    %reduce_sum3A_89 = arith.constant dense<0.000000e+00> : vector<2048xf32>
    %reduce_sum3A_90 = vector.multi_reduction <add>, %mul3A, %reduce_sum3A_89 [1] : vector<2048x64xf32> to vector<2048xf32>
    %sub3A = arith.constant 1.000000e+00 : f32
    %sub3A_91 = vector.broadcast %sub3A : f32 to vector<2048xf32>
    %sub3A_92 = arith.subf %reduce_sum3A_90, %sub3A_91 : vector<2048xf32>
    %iota3A_93 = tpu.iota {dimensions = array<i32: 0>} : vector<64x64xi32>
    %iota3A_94 = tpu.iota {dimensions = array<i32: 1>} : vector<64x64xi32>
    %lt3A = arith.cmpi slt, %iota3A_93, %iota3A_94 : vector<64x64xi32>
    %convert_element_type3A_95 = arith.extui %lt3A : vector<64x64xi1> to vector<64x64xi32>
    %convert_element_type3A_96 = arith.sitofp %convert_element_type3A_95 : vector<64x64xi32> to vector<64x64xf32>
    %dot_general3A_97 = arith.constant dense<0.000000e+00> : vector<1x64xf32>
    %dot_general3A_98 = tpu.matmul %add3A_88, %convert_element_type3A_96, %dot_general3A_97 {dimension_numbers = #tpu.dot_dimension_numbers<[1], [0], [0], [1], [0, 0, 1, 1], [], []>, transpose_lhs_hint = false} : vector<1x64xf32>, vector<64x64xf32>, vector<1x64xf32> -> vector<1x64xf32>
    %mul3A_99 = vector.broadcast %dot_general3A_98 : vector<1x64xf32> to vector<2048x64xf32>
    %mul3A_100 = arith.mulf %convert_element_type3A_12, %mul3A_99 : vector<2048x64xf32>
    %reduce_sum3A_101 = arith.constant dense<0.000000e+00> : vector<2048xf32>
    %reduce_sum3A_102 = vector.multi_reduction <add>, %mul3A_100, %reduce_sum3A_101 [1] : vector<2048x64xf32> to vector<2048xf32>
    %add3A_103 = arith.addf %reduce_sum3A_102, %sub3A_92 : vector<2048xf32>
    %convert_element_type3A_104 = arith.fptosi %add3A_103 : vector<2048xf32> to vector<2048xi32>
    %swap3A = arith.constant 0 : index
    %swap3A_105 = vector.load %arg2[%swap3A] : memref<2048xi32, #tpu.memory_space<vmem>>, vector<2048xi32>
    tpu.vector_store %arg2[%swap3A], %convert_element_type3A_104 {strides = array<i32>} : memref<2048xi32, #tpu.memory_space<vmem>>, vector<2048xi32>,
    %convert_element_type3A_106 = arith.fptosi %add3A_88 : vector<1x64xf32> to vector<1x64xi32>
    %convert_element_type3A_107 = arith.fptosi %dot_general3A_98 : vector<1x64xf32> to vector<1x64xi32>
    %add3A_108 = arith.addi %convert_element_type3A_107, %convert_element_type3A_106 : vector<1x64xi32>
    %jit3A_109 = arith.constant 128 : i32
    %div3A = vector.broadcast %jit3A_109 : i32 to vector<1x64xi32>
    %div3A_110 = arith.divsi %convert_element_type3A_107, %div3A : vector<1x64xi32>
    %sign3A = arith.constant 0 : i32
    %sign3A_111 = vector.broadcast %sign3A : i32 to vector<1x64xi32>
    %sign3A_112 = arith.cmpi sgt, %convert_element_type3A_107, %sign3A_111 : vector<1x64xi32>
    %sign3A_113 = arith.extui %sign3A_112 : vector<1x64xi1> to vector<1x64xi32>
    %sign3A_114 = arith.constant 0 : i32
    %sign3A_115 = vector.broadcast %sign3A_114 : i32 to vector<1x64xi32>
    %sign3A_116 = arith.cmpi slt, %convert_element_type3A_107, %sign3A_115 : vector<1x64xi32>
    %sign3A_117 = arith.extui %sign3A_116 : vector<1x64xi1> to vector<1x64xi32>
    %sign3A_118 = arith.subi %sign3A_113, %sign3A_117 : vector<1x64xi32>
    %sign3A_119 = arith.constant 0 : i32
    %sign3A_120 = arith.cmpi sgt, %jit3A_109, %sign3A_119 : i32
    %sign3A_121 = arith.extui %sign3A_120 : i1 to i32
    %sign3A_122 = arith.constant 0 : i32
    %sign3A_123 = arith.cmpi slt, %jit3A_109, %sign3A_122 : i32
    %sign3A_124 = arith.extui %sign3A_123 : i1 to i32
    %sign3A_125 = arith.subi %sign3A_121, %sign3A_124 : i32
    %ne3A = vector.broadcast %sign3A_125 : i32 to vector<1x64xi32>
    %ne3A_126 = arith.cmpi ne, %sign3A_118, %ne3A : vector<1x64xi32>
    %rem3A = vector.broadcast %jit3A_109 : i32 to vector<1x64xi32>
    %rem3A_127 = arith.remsi %convert_element_type3A_107, %rem3A : vector<1x64xi32>
    %ne3A_128 = arith.constant 0 : i32
    %ne3A_129 = vector.broadcast %ne3A_128 : i32 to vector<1x64xi32>
    %ne3A_130 = arith.cmpi ne, %rem3A_127, %ne3A_129 : vector<1x64xi32>
    %and3A = arith.andi %ne3A_126, %ne3A_130 : vector<1x64xi1>
    %sub3A_131 = arith.constant 1 : i32
    %sub3A_132 = vector.broadcast %sub3A_131 : i32 to vector<1x64xi32>
    %sub3A_133 = arith.subi %div3A_110, %sub3A_132 : vector<1x64xi32>
    %select_n3A_134 = arith.select %and3A, %sub3A_133, %div3A_110 : vector<1x64xi1>, vector<1x64xi32>
    %sub3A_135 = arith.constant 1 : i32
    %sub3A_136 = vector.broadcast %sub3A_135 : i32 to vector<1x64xi32>
    %sub3A_137 = arith.subi %add3A_108, %sub3A_136 : vector<1x64xi32>
    %jit3A_138 = arith.constant 128 : i32
    %div3A_139 = vector.broadcast %jit3A_138 : i32 to vector<1x64xi32>
    %div3A_140 = arith.divsi %sub3A_137, %div3A_139 : vector<1x64xi32>
    %sign3A_141 = arith.constant 0 : i32
    %sign3A_142 = vector.broadcast %sign3A_141 : i32 to vector<1x64xi32>
    %sign3A_143 = arith.cmpi sgt, %sub3A_137, %sign3A_142 : vector<1x64xi32>
    %sign3A_144 = arith.extui %sign3A_143 : vector<1x64xi1> to vector<1x64xi32>
    %sign3A_145 = arith.constant 0 : i32
    %sign3A_146 = vector.broadcast %sign3A_145 : i32 to vector<1x64xi32>
    %sign3A_147 = arith.cmpi slt, %sub3A_137, %sign3A_146 : vector<1x64xi32>
    %sign3A_148 = arith.extui %sign3A_147 : vector<1x64xi1> to vector<1x64xi32>
    %sign3A_149 = arith.subi %sign3A_144, %sign3A_148 : vector<1x64xi32>
    %sign3A_150 = arith.constant 0 : i32
    %sign3A_151 = arith.cmpi sgt, %jit3A_138, %sign3A_150 : i32
    %sign3A_152 = arith.extui %sign3A_151 : i1 to i32
    %sign3A_153 = arith.constant 0 : i32
    %sign3A_154 = arith.cmpi slt, %jit3A_138, %sign3A_153 : i32
    %sign3A_155 = arith.extui %sign3A_154 : i1 to i32
    %sign3A_156 = arith.subi %sign3A_152, %sign3A_155 : i32
    %ne3A_157 = vector.broadcast %sign3A_156 : i32 to vector<1x64xi32>
    %ne3A_158 = arith.cmpi ne, %sign3A_149, %ne3A_157 : vector<1x64xi32>
    %rem3A_159 = vector.broadcast %jit3A_138 : i32 to vector<1x64xi32>
    %rem3A_160 = arith.remsi %sub3A_137, %rem3A_159 : vector<1x64xi32>
    %ne3A_161 = arith.constant 0 : i32
    %ne3A_162 = vector.broadcast %ne3A_161 : i32 to vector<1x64xi32>
    %ne3A_163 = arith.cmpi ne, %rem3A_160, %ne3A_162 : vector<1x64xi32>
    %and3A_164 = arith.andi %ne3A_158, %ne3A_163 : vector<1x64xi1>
    %sub3A_165 = arith.constant 1 : i32
    %sub3A_166 = vector.broadcast %sub3A_165 : i32 to vector<1x64xi32>
    %sub3A_167 = arith.subi %div3A_140, %sub3A_166 : vector<1x64xi32>
    %select_n3A_168 = arith.select %and3A_164, %sub3A_167, %div3A_140 : vector<1x64xi1>, vector<1x64xi32>
    %gt3A = arith.constant 0 : i32
    %gt3A_169 = vector.broadcast %gt3A : i32 to vector<1x64xi32>
    %gt3A_170 = arith.cmpi sgt, %convert_element_type3A_106, %gt3A_169 : vector<1x64xi32>
    %sub3A_171 = arith.subi %select_n3A_168, %select_n3A_134 : vector<1x64xi32>
    %add3A_172 = arith.constant 1 : i32
    %add3A_173 = vector.broadcast %add3A_172 : i32 to vector<1x64xi32>
    %add3A_174 = arith.addi %sub3A_171, %add3A_173 : vector<1x64xi32>
    %jit3A_175 = arith.constant 0 : i32
    %broadcast_in_dim3A_176 = vector.broadcast %jit3A_175 : i32 to vector<1x64xi32>
    %select_n3A_177 = arith.select %gt3A_170, %add3A_174, %broadcast_in_dim3A_176 : vector<1x64xi1>, vector<1x64xi32>
    %le3A = arith.cmpi sle, %iota3A_93, %iota3A_94 : vector<64x64xi32>
    %convert_element_type3A_178 = arith.extui %le3A : vector<64x64xi1> to vector<64x64xi32>
    %convert_element_type3A_179 = arith.sitofp %convert_element_type3A_178 : vector<64x64xi32> to vector<64x64xf32>
    %convert_element_type3A_180 = arith.sitofp %select_n3A_177 : vector<1x64xi32> to vector<1x64xf32>
    %dot_general3A_181 = arith.constant dense<0.000000e+00> : vector<1x64xf32>
    %dot_general3A_182 = tpu.matmul %convert_element_type3A_180, %convert_element_type3A_179, %dot_general3A_181 {dimension_numbers = #tpu.dot_dimension_numbers<[1], [0], [0], [1], [0, 0, 1, 1], [], []>, transpose_lhs_hint = false} : vector<1x64xf32>, vector<64x64xf32>, vector<1x64xf32> -> vector<1x64xf32>
    %convert_element_type3A_183 = arith.fptosi %dot_general3A_182 : vector<1x64xf32> to vector<1x64xi32>
    %slice3A_184 = vector.extract_strided_slice %convert_element_type3A_183 {offsets = [0, 63], sizes = [1, 1], strides = [1, 1]} : vector<1x64xi32> to vector<1x1xi32>
    %iota3A_185 = tpu.iota {dimensions = array<i32: 0>} : vector<79x1xi32>
    %sub3A_186 = arith.constant 1 : i32
    %sub3A_187 = vector.broadcast %sub3A_186 : i32 to vector<1x1xi32>
    %sub3A_188 = arith.subi %slice3A_184, %sub3A_187 : vector<1x1xi32>
    %min3A = vector.broadcast %sub3A_188 : vector<1x1xi32> to vector<79x1xi32>
    %min3A_189 = arith.minsi %iota3A_185, %min3A : vector<79x1xi32>
    %le3A_190 = vector.broadcast %convert_element_type3A_183 : vector<1x64xi32> to vector<79x64xi32>
    %le3A_191 = vector.broadcast %min3A_189 : vector<79x1xi32> to vector<79x64xi32>
    %le3A_192 = arith.cmpi sle, %le3A_190, %le3A_191 : vector<79x64xi32>
    %convert_element_type3A_193 = arith.extui %le3A_192 : vector<79x64xi1> to vector<79x64xi32>
    %reduce_sum3A_194 = arith.constant dense<0> : vector<79xi32>
    %reduce_sum3A_195 = vector.multi_reduction <add>, %convert_element_type3A_193, %reduce_sum3A_194 [1] : vector<79x64xi32> to vector<79xi32>
    %broadcast_in_dim3A_196 = vector.shape_cast %reduce_sum3A_195 : vector<79xi32> to vector<79x1xi32>
    %iota3A_197 = tpu.iota {dimensions = array<i32: 1>} : vector<79x64xi32>
    %eq3A_198 = vector.broadcast %broadcast_in_dim3A_196 : vector<79x1xi32> to vector<79x64xi32>
    %eq3A_199 = arith.cmpi eq, %iota3A_197, %eq3A_198 : vector<79x64xi32>
    %convert_element_type3A_200 = arith.extui %eq3A_199 : vector<79x64xi1> to vector<79x64xi32>
    %sub3A_201 = arith.subi %convert_element_type3A_183, %select_n3A_177 : vector<1x64xi32>
    %mul3A_202 = vector.broadcast %sub3A_201 : vector<1x64xi32> to vector<79x64xi32>
    %mul3A_203 = arith.muli %convert_element_type3A_200, %mul3A_202 : vector<79x64xi32>
    %reduce_sum3A_204 = arith.constant dense<0> : vector<79xi32>
    %reduce_sum3A_205 = vector.multi_reduction <add>, %mul3A_203, %reduce_sum3A_204 [1] : vector<79x64xi32> to vector<79xi32>
    %broadcast_in_dim3A_206 = vector.shape_cast %reduce_sum3A_205 : vector<79xi32> to vector<79x1xi32>
    %mul3A_207 = vector.broadcast %select_n3A_134 : vector<1x64xi32> to vector<79x64xi32>
    %mul3A_208 = arith.muli %convert_element_type3A_200, %mul3A_207 : vector<79x64xi32>
    %reduce_sum3A_209 = arith.constant dense<0> : vector<79xi32>
    %reduce_sum3A_210 = vector.multi_reduction <add>, %mul3A_208, %reduce_sum3A_209 [1] : vector<79x64xi32> to vector<79xi32>
    %broadcast_in_dim3A_211 = vector.shape_cast %reduce_sum3A_210 : vector<79xi32> to vector<79x1xi32>
    %mul3A_212 = vector.broadcast %convert_element_type3A_107 : vector<1x64xi32> to vector<79x64xi32>
    %mul3A_213 = arith.muli %convert_element_type3A_200, %mul3A_212 : vector<79x64xi32>
    %reduce_sum3A_214 = arith.constant dense<0> : vector<79xi32>
    %reduce_sum3A_215 = vector.multi_reduction <add>, %mul3A_213, %reduce_sum3A_214 [1] : vector<79x64xi32> to vector<79xi32>
    %broadcast_in_dim3A_216 = vector.shape_cast %reduce_sum3A_215 : vector<79xi32> to vector<79x1xi32>
    %mul3A_217 = vector.broadcast %convert_element_type3A_106 : vector<1x64xi32> to vector<79x64xi32>
    %mul3A_218 = arith.muli %convert_element_type3A_200, %mul3A_217 : vector<79x64xi32>
    %reduce_sum3A_219 = arith.constant dense<0> : vector<79xi32>
    %reduce_sum3A_220 = vector.multi_reduction <add>, %mul3A_218, %reduce_sum3A_219 [1] : vector<79x64xi32> to vector<79xi32>
    %broadcast_in_dim3A_221 = vector.shape_cast %reduce_sum3A_220 : vector<79xi32> to vector<79x1xi32>
    %sub3A_222 = arith.subi %min3A_189, %broadcast_in_dim3A_206 : vector<79x1xi32>
    %add3A_223 = arith.addi %broadcast_in_dim3A_211, %sub3A_222 : vector<79x1xi32>
    %mul3A_224 = arith.constant 128 : i32
    %mul3A_225 = vector.broadcast %mul3A_224 : i32 to vector<79x1xi32>
    %mul3A_226 = arith.muli %add3A_223, %mul3A_225 : vector<79x1xi32>
    %sub3A_227 = arith.subi %broadcast_in_dim3A_216, %mul3A_226 : vector<79x1xi32>
    %max3A = arith.constant 0 : i32
    %max3A_228 = vector.broadcast %max3A : i32 to vector<79x1xi32>
    %max3A_229 = arith.maxsi %sub3A_227, %max3A_228 : vector<79x1xi32>
    %add3A_230 = arith.addi %broadcast_in_dim3A_216, %broadcast_in_dim3A_221 : vector<79x1xi32>
    %mul3A_231 = arith.constant 128 : i32
    %mul3A_232 = vector.broadcast %mul3A_231 : i32 to vector<79x1xi32>
    %mul3A_233 = arith.muli %add3A_223, %mul3A_232 : vector<79x1xi32>
    %sub3A_234 = arith.subi %add3A_230, %mul3A_233 : vector<79x1xi32>
    %min3A_235 = arith.constant 128 : i32
    %min3A_236 = vector.broadcast %min3A_235 : i32 to vector<79x1xi32>
    %min3A_237 = arith.minsi %sub3A_234, %min3A_236 : vector<79x1xi32>
    %lt3A_238 = vector.broadcast %slice3A_184 : vector<1x1xi32> to vector<79x1xi32>
    %lt3A_239 = arith.cmpi slt, %iota3A_185, %lt3A_238 : vector<79x1xi32>
    %jit3A_240 = arith.constant 0 : i32
    %broadcast_in_dim3A_241 = vector.broadcast %jit3A_240 : i32 to vector<79x1xi32>
    %select_n3A_242 = arith.select %lt3A_239, %max3A_229, %broadcast_in_dim3A_241 : vector<79x1xi1>, vector<79x1xi32>
    %jit3A_243 = arith.constant 0 : i32
    %broadcast_in_dim3A_244 = vector.broadcast %jit3A_243 : i32 to vector<79x1xi32>
    %select_n3A_245 = arith.select %lt3A_239, %min3A_237, %broadcast_in_dim3A_244 : vector<79x1xi1>, vector<79x1xi32>
    %eq3A_246 = arith.constant 0 : i32
    %eq3A_247 = vector.broadcast %eq3A_246 : i32 to vector<79x1xi32>
    %eq3A_248 = arith.cmpi eq, %select_n3A_242, %eq3A_247 : vector<79x1xi32>
    %and3A_249 = arith.andi %lt3A_239, %eq3A_248 : vector<79x1xi1>
    %convert_element_type3A_250 = arith.extui %and3A_249 : vector<79x1xi1> to vector<79x1xi32>
    %concatenate3A_251 = tpu.concatenate %broadcast_in_dim3A_196, %add3A_223, %select_n3A_242, %select_n3A_245, %convert_element_type3A_250 in 1 : vector<79x1xi32>, vector<79x1xi32>, vector<79x1xi32>, vector<79x1xi32>, vector<79x1xi32> -> vector<79x5xi32>
    %swap3A_252 = arith.constant 0 : index
    %swap3A_253 = arith.constant 0 : index
    %swap3A_254 = vector.load %arg3[%swap3A_252, %swap3A_253] : memref<79x5xi32, #tpu.memory_space<vmem>>, vector<79x5xi32>
    tpu.vector_store %arg3[%swap3A_252, %swap3A_253], %concatenate3A_251 {strides = array<i32>} : memref<79x5xi32, #tpu.memory_space<vmem>>, vector<79x5xi32>,
    return
  }
}

</mosaic_0001>

<sc_bundles>
// kernel: kernel.10.cloned.1.call-start
scs
__scs_entry_jumppad:
0x0: {  	(pc) =	sbr.rel $0x88, $3  }
0x1: {  	(tag) =	ssettag $0x0;
	lr =	simm.s32 $0x1  }
0x2: {  	[smem:$0x3F99] =	sst lr;
	_ =	strace $0xD0000000  }
0x3: {  	_ = 	snop  }
0x4: {  	_ = 	snop  }
0x5: {  	_ = 	snop  }
0x6: {  	_ = 	snop  }
0x7: {  	_ = 	snop  }
__scs_overlays_trampoline_lowered:
0x8: {  	[smem:$0x3FA8] =	sst s0  }
0x9: {  	[smem:$0x3FA9] =	sst s1  }
0xa: {  	[smem:$0x3FAA] =	sst s2  }
0xb: {  	[smem:$0x3FAB] =	sst s3  }
0xc: {  	[smem:$0x3FAC] =	sst s4  }
0xd: {  	[smem:$0x3FAD] =	sst s5  }
0xe: {  	[smem:$0x3FAE] =	sst s6  }
0xf: {  	[smem:$0x3FAF] =	sst s7  }
0x10: {  	[smem:$0x3FB0] =	sst s8  }
0x11: {  	[smem:$0x3FB1] =	sst s9;
	s0 =	simm.s32 @!p0 $0x0  }
0x12: {  	s1 =	sld [smem:$0x3F97];
	s0 =	simm.s32 @p0 $0x1  }
0x13: {  	[smem:$0x3FB2] =	sst s0;
	s0 =	simm.s32 @!p1 $0x0  }
0x14: {  	s2 =	sld [smem:$0x3F96];
	s0 =	simm.s32 @p1 $0x1  }
0x15: {  	[smem:$0x3FB3] =	sst s0;
	s0 =	simm.s32 @!p2 $0x0  }
0x16: {  	s3 =	sld [smem:$0x3FDB];
	s0 =	simm.s32 @p2 $0x1  }
0x17: {  	s4 =	simm.s32 $0x1BF5;
	[smem:$0x3FB5] =	sst s0  }
0x18: {  	s0 =	sld [smem:$0x3F98];
	_ =	swait.ge [sflag:s4], $0x0  }
0x19: {  	s7 =	sld [smem:$0x3F99]  }
0x1a: {  	s8 =	sadd.s32 $0xFFFFE003, lr  }
0x1b: {  	s9 =	sadd.s32 $0xFFFFFEF7, lr;
	s5 =	simm.s32 $0xFFFFFFFF;
	p2 =	slt.u32 s8, $0xFFFFF086  }
0x1c: {  	p1 =	slt.u32 s9, $0xF7A;
	s5 =	simm.s32 @!p2 $0x0  }
0x1d: {  	s5 =	simm.s32 @p1 $0x1;
	p0 =	seq.s32 s7, s2  }
0x1e: {  	s7 =	smul.u32 @!p0 $0xF7A, s2;
	p2 =	seq.s32 @!p0 s5, $0x0  }
0x1f: {  	s9 =	smul.u32 $0xF7A, s1;
	s8 =	simm.s32 @!p0 $0x1BF5;
	p2 =	por !p2, p0  }
0x20: {  	[sflag:s8] =	ssyncset.s32 @!p0 $0xFFFFF086;
	s6 =	sadd.s32 @!p0 s3, s7;
	s7 =	simm.s32 @!p0 $0x108  }
0x21: {  	s3 =	sadd.s32 s3, s9;
	s6 =	sadd.s32 @!p0 $0x88, s6;
	s7 =	simm.s32 @p2 $0x1082  }
0x22: {  	[simem:s7], [sflag:s8] =	dma.local @!p0 [hbm:s6], $0xF7A  }
0x23: {  	s9 =	sor.u32 $0xD0000000, s2;
	s6 =	simm.s32 $0x108;
	_ =	swait.ge @!p0 [sflag:s8], $0x0  }
0x24: {  	s3 =	sadd.s32 $0x88, s3;
	s6 =	simm.s32 @!p1 $0x1082;
	[sflag:s4] =	ssyncset.s32 $0xFFFFF086  }
0x25: {  	[simem:s6], [sflag:s4] =	dma.local [hbm:s3], $0xF7A  }
0x26: {  	[smem:$0x3F99] =	sst s1;
	(tag) =	ssettag s2;
	_ =	strace s9  }
0x27: {  	s1 =	sld [smem:$0x3FA9]  }
0x28: {  	s2 =	sld [smem:$0x3FAA]  }
0x29: {  	s4 =	sld [smem:$0x3FAC]  }
0x2a: {  	p0 =	seq.s32 s5, $0x0;
	s5 =	sld [smem:$0x3FAD]  }
0x2b: {  	s6 =	sld [smem:$0x3FAE]  }
0x2c: {  	s7 =	sld [smem:$0x3FAF]  }
0x2d: {  	s3 =	simm.s32 $0x108;
	s8 =	sld [smem:$0x3FB0]  }
0x2e: {  	s3 =	simm.s32 @!p0 $0x1082;
	s9 =	sld [smem:$0x3FB1]  }
0x2f: {  	lr =	sadd.s32 s0, s3;
	s0 =	sld [smem:$0x3FA8]  }
0x30: {  	s3 =	sld [smem:$0x3FAB]  }
0x31: {  	[smem:$0x3FB4] =	sst s10  }
0x32: {  	s10 =	sld [smem:$0x3FB2];
	_ =	sdelay $0x3  }
0x33: {  	p0 =	seq.s32 s10, $0x1;
	s10 =	sld [smem:$0x3FB4];
	_ =	sdelay $0x3  }
0x34: {  	[smem:$0x3FB4] =	sst s10  }
0x35: {  	s10 =	sld [smem:$0x3FB3];
	_ =	sdelay $0x3  }
0x36: {  	p1 =	seq.s32 s10, $0x1;
	s10 =	sld [smem:$0x3FB4];
	_ =	sdelay $0x3  }
0x37: {  	[smem:$0x3FB4] =	sst s10  }
0x38: {  	s10 =	sld [smem:$0x3FB5]  }
0x39: {  	_ = 	snop;
	(pc) =	sbr.ind lr, $3  }
0x3a: {  	_ = 	snop  }
0x3b: {  	_ = 	snop  }
0x3c: {  	p2 =	seq.s32 s10, $0x1;
	s10 =	sld [smem:$0x3FB4]  }
0x3d: {  	_ =	shalt  }
0x3e: {  	_ =	shalt  }
0x3f: {  	_ =	shalt  }
0x40: {  	_ =	shalt  }
0x41: {  	_ =	shalt  }
0x42: {  	_ =	shalt  }
0x43: {  	_ =	shalt  }
0x44: {  	_ =	shalt  }
0x45: {  	_ =	shalt  }
0x46: {  	_ =	shalt  }
0x47: {  	_ =	shalt  }
0x48: {  	_ =	shalt  }
0x49: {  	_ =	shalt  }
0x4a: {  	_ =	shalt  }
0x4b: {  	_ =	shalt  }
0x4c: {  	_ =	shalt  }
0x4d: {  	_ =	shalt  }
0x4e: {  	_ =	shalt  }
0x4f: {  	_ =	shalt  }
0x50: {  	_ =	shalt  }
0x51: {  	_ =	shalt  }
0x52: {  	_ =	shalt  }
0x53: {  	_ =	shalt  }
0x54: {  	_ =	shalt  }
0x55: {  	_ =	shalt  }
0x56: {  	_ =	shalt  }
0x57: {  	_ =	shalt  }
0x58: {  	_ =	shalt  }
0x59: {  	_ =	shalt  }
0x5a: {  	_ =	shalt  }
0x5b: {  	_ =	shalt  }
0x5c: {  	_ =	shalt  }
0x5d: {  	_ =	shalt  }
0x5e: {  	_ =	shalt  }
0x5f: {  	_ =	shalt  }
0x60: {  	_ =	shalt  }
0x61: {  	_ =	shalt  }
0x62: {  	_ =	shalt  }
0x63: {  	_ =	shalt  }
0x64: {  	_ =	shalt  }
0x65: {  	_ =	shalt  }
0x66: {  	_ =	shalt  }
0x67: {  	_ =	shalt  }
0x68: {  	_ =	shalt  }
0x69: {  	_ =	shalt  }
0x6a: {  	_ =	shalt  }
0x6b: {  	_ =	shalt  }
0x6c: {  	_ =	shalt  }
0x6d: {  	_ =	shalt  }
0x6e: {  	_ =	shalt  }
0x6f: {  	_ =	shalt  }
0x70: {  	_ =	shalt  }
0x71: {  	_ =	shalt  }
0x72: {  	_ =	shalt  }
0x73: {  	_ =	shalt  }
0x74: {  	_ =	shalt  }
0x75: {  	_ =	shalt  }
0x76: {  	_ =	shalt  }
0x77: {  	_ =	shalt  }
0x78: {  	_ =	shalt  }
0x79: {  	_ =	shalt  }
0x7a: {  	_ =	shalt  }
0x7b: {  	_ =	shalt  }
0x7c: {  	_ =	shalt  }
0x7d: {  	_ =	shalt  }
0x7e: {  	_ =	shalt  }
0x7f: {  	_ =	shalt  }
0x80: {  	_ =	shalt  }
0x81: {  	_ =	shalt  }
0x82: {  	_ =	shalt  }
0x83: {  	_ =	shalt  }
0x84: {  	_ =	shalt  }
0x85: {  	_ =	shalt  }
0x86: {  	_ =	shalt  }
0x87: {  	_ =	shalt  }
.Lfunc_end0:
.L_simem_size_0:
called_computation.1_lowered:
.L_overlay_start_0:
0x88: {  	s2 =	sld [smem:$0x3FD9]  }
0x89: {  	s3 =	sld [smem:$0x3FFE];
	_ =	sdelay $0x1  }
0x8a: {  	s1 =	srdreg.scid  }
0x8b: {  	s0 =	sand.u32 $0x1, s1  }
0x8c: {  	s17 =	sshll.u32 s0, $0xA;
	s2 =	sadd.s32 s3, s2  }
0x8d: {  	s2 =	sadd.s32 s2, s17  }
0x8e: {  	[smem:$0x3FC0] =	sst s2  }
0x8f: {  	_ = 	snop  }
0x90: {  	s2 =	sld [smem:$0x3FD0];
	(tm) =	ssettm $0x1  }
0x91: {  	s18 =	sld [smem:$0x3FFB];
	_ =	sdelay $0x3  }
0x92: {  	_ =	strace s18  }
0x93: {  	s3 =	sld [smem:$0x3FFC];
	_ =	sdelay $0x3  }
0x94: {  	_ =	strace s3  }
0x95: {  	s3 =	sld [smem:$0x3FFD];
	_ =	sdelay $0x3  }
0x96: {  	_ =	strace s3  }
0x97: {  	_ =	strace $0x8FFFFFFF  }
0x98: {  	s19 =	sld [smem:$0x3FDB];
	_ =	sdelay $0x1  }
0x99: {  	s4 =	simm.s32 $_scs_section_size  }
0x9a: {  	s5 =	simm.s32 $_size__tile_overlayer_lowered;
	s6 =	simm.s32 $_tile_overlayer_lowered  }
0x9b: {  	s22 =	simm.s32 $0x1BFF;
	s21 =	sshll.u32 s6, $0x1;
	s3 =	sadd.s32 s4, s19  }
0x9c: {  	s7 =	simm.s32 $0x0;
	s20 =	sshll.u32 s5, $0x1;
	s5 =	sadd.s32 s21, s3  }
0x9d: {  	[timem:s7], [sflag:s22] =	dma.local [hbm:s5], s20  }
0x9e: {  	_ =	swait.ge [sflag:s22], s20  }
0x9f: {  	s4 =	ssub.s32 $0x0, s20;
	[sflag:s22] =	ssyncset.done $0x0  }
0xa0: {  	[sflag:s22] =	ssyncadd.s32 s4;
	_ =	sdelay $0x1  }
0xa1: {  	s23 =	simm.s32 $0x1B8B  }
0xa2: {  	_ =	swait.ge [sflag:s23], $0x1  }
0xa3: {  	[sflag:s23] =	ssyncset.done $0x0  }
0xa4: {  	s25 =	simm.s32 $0x1B8E;
	s24 =	sld [smem:$0x3FFE];
	[sflag:s23] =	ssyncadd.s32 $0xFFFFFFFF  }
0xa5: {  	s26 =	simm.s32 $execute0_lowered;
	[smem:$0x3FD2] =	sst s25  }
0xa6: {  	s5 =	sshll.u32 s26, $0x1;
	_ =	strace $0x80000049;
	[dreg:$0x1] =	wrdreg $0xFFFFFFFF  }
0xa7: {  	s28 =	simm.s32 $_size_execute0_lowered;
	s3 =	sadd.s32 s3, s5;
	[dreg:$0x0] =	wrdreg $0x0  }
0xa8: {  	s5 =	sshll.u32 s28, $0x1;
	[dreg:$0x2] =	wrdreg s3  }
0xa9: {  	[dreg:$0x3] =	wrdreg s5  }
0xaa: {  	[dreg:$0x4] =	wrdreg $0xC0  }
0xab: {  	_ =	task [dreg:s7], $0x5FFFF  }
0xac: {  	[dreg:$0x1] =	wrdreg $0xFFFFFFFF  }
0xad: {  	[dreg:$0x0] =	wrdreg $0x60  }
0xae: {  	[dreg:$0x2] =	wrdreg s2  }
0xaf: {  	[dreg:$0x3] =	wrdreg s24  }
0xb0: {  	[dreg:$0x4] =	wrdreg $0x9  }
0xb1: {  	_ =	task.clear_ibuf [dreg:s7], $0x5FFFF;
	_ =	strace $0x90000049  }
0xb2: {  	s29 =	simm.s32 $0x9;
	_ =	strace $0x8000004B  }
0xb3: {  	_ =	swait.ge [sflag:s29], $0x1  }
0xb4: {  	[sflag:s29] =	ssyncadd.s32 $0xFFFFFFFF  }
0xb5: {  	_ =	strace $0x9000004B  }
0xb6: {  	_ =	sfence  }
0xb7: {  	s30 =	sld [smem:$0x0];
	_ =	sdelay $0x2  }
0xb8: {  	s31 =	sshll.u32 s1, $0xD;
	s1 =	sshrl.u32 s1, $0x2  }
0xb9: {  	s3 =	sand.u32 $0x4000, s31;
	s1 =	sadd.s32 s1, s30  }
0xba: {  	s0 =	sor.u32 s3, s0;
	s1 =	sshll.u32 s1, $0x11  }
0xbb: {  	s0 =	sor.u32 s1, s0  }
0xbc: {  	s0 =	sadd.s32 $0x8F2B, s0  }
0xbd: {  	[sflag:s0] =	ssyncadd.remote.s32 $0x1  }
0xbe: {  	_ =	sfence.sel $0xFFFF  }
0xbf: {  	[dreg:$0x0] =	wrdreg $0xFFFFFFFF;
	(pc) =	sbr.abs _section_cstart, $3  }
0xc0: {  	[dreg:$0x1] =	wrdreg $0xFFFFFFFF  }
0xc1: {  	_ =	task.clear_ibuf [dreg:s7], $0x2FFFF;
	_ =	strace $0x9FFFFFFF  }
0xc2: {  	(tm) =	ssettm $0x7FFFFFFF  }
0xc3: {  	_ =	shalt  }
tec
execute0_lowered:
.L_overlay_start_1:
0x0: {  	(tag) =	ssettag $0x1  }
0x1: {  	s1 =	srdreg.scid  }
0x2: {  	s2 =	rddreg [dreg:$0x0];
	s0 =	stileid.u32  }
0x3: {  	s4 =	rddreg [dreg:$0x1];
	s3 =	simm.s32 $0x0;
	s8 =	simm.s32 $0x80  }
0x4: {  	s26 =	simm.s32 $0x880;
	s9 =	simm.s32 $0x1080;
	s10 =	simm.s32 $0x1880  }
0x5: {  	s11 =	simm.s32 $0x2080;
	s12 =	simm.s32 $0x2880;
	s13 =	simm.s32 $0x3080  }
0x6: {  	s14 =	simm.s32 $0x3880;
	s15 =	simm.s32 $0x4080;
	s16 =	simm.s32 $0x4880  }
0x7: {  	s17 =	simm.s32 $0x5080;
	s18 =	simm.s32 $0x5880;
	s19 =	simm.s32 $0x6080  }
0x8: {  	s20 =	simm.s32 $0x6880;
	s21 =	simm.s32 $0x7080;
	s22 =	simm.s32 $0x7880  }
0x9: {  	s23 =	simm.s32 $0x8080;
	s24 =	simm.s32 $0x8880;
	s28 =	simm.s32 $0xA080  }
0xa: {  	s29 =	simm.s32 $0xA880;
	s30 =	simm.s32 $0xB080;
	s31 =	simm.s32 $0xB880  }
0xb: {  	s1 =	sand.u32 $0x1, s1;
	s5 =	sshll.u32 s0, $0x4;
	[smem:$0x7FF] =	sst s3  }
0xc: {  	s6 =	sshll.u32 s1, $0x3;
	s1 =	ssub.s32 $0x2, s1;
	_ =	strace $0x8000004A  }
0xd: {  	[dreg:$0x5] =	wrdreg s26;
	s26 =	simm.s32 $0x9880;
	s5 =	sor.u32 s6, s5  }
0xe: {  	s7 =	sshrl.u32 s1, $0x1;
	s6 =	smul.u32 $0x300, s5;
	s5 =	sadd.s32 s5, s4  }
0xf: {  	s1 =	ssub.s32 s1, s7;
	s7 =	simm.s32 $0x2;
	s25 =	sadd.s32 $0x2800, s5  }
0x10: {  	v2 =	vlaneseq.u32;
	s5 =	sadd.s32 $0x200, s2;
	s6 =	sadd.s32 s6, s4;
	[dreg:$0x3] =	wrdreg s25  }
0x11: {  	vm0 =	vmmov $0xffff;
	v1 =	vshrl.u32 v2, $0x3;
	s4 =	sadd.s32 $0x100, s2;
	s25 =	simm.s32 $0x9080;
	s6 =	sadd.s32 $0x2A00, s6  }
0x12: {  	v0 =	vand.u32 $0x7, v2;
	v2 =	vor.u32 $0x8, v2;
	v1 =	vmul.u32 $0x8, v1;
	[dreg:$0x4] =	wrdreg s6;
	s6 =	smax.u32 s1, $0x1;
	s1 =	simm.s32 $0x1  }
.LBB2_1:
0x13: {  	s0 =	rddreg [dreg:$0x3]  }
0x14: {  	[tilespmem:s3], [sflag:$0x2] =	stream.linear.gather [hbm4b:s0+s3], $0x40, $0x38;
	[tilespmem:$0xC080] =	vst v63  }
0x15: {  	_ =	swait.ge [sflag:s7], $0x40  }
0x16: {  	[sflag:s7] =	ssyncset.done $0x0  }
0x17: {  	[sflag:s7] =	ssyncadd.s32 $0xFFFFFFC0  }
0x18: {  	v3 =	vld [tilespmem:$0x0];
	_ =	sdelay $0x4  }
0x19: {  	v4 =	vshrl.u32 v3, $0x3  }
0x1a: {  	v4 =	vmul.u32 $0x30, v4  }
0x1b: {  	v3 =	vand.u32 $0x7, v3  }
0x1c: {  	v3 =	vor.u32 v3, v4  }
0x1d: {  	v4 =	vperm.xlane v3, v0;
	_ =	sdelay $0x1  }
0x1e: {  	v4 =	vadd.s32 v1, v4;
	_ =	sdelay $0x3  }
0x1f: {  	v3 =	vperm.xlane v3, v2  }
0x20: {  	[tilespmem:s8], [sflag:$0x1] =	stream.indirect_vreg.gather [hbm4b:s2+s3], $0x80, v4, vm0, $0xb8;
	[tilespmem:$0xC080] =	vst v63  }
0x21: {  	s0 =	rddreg [dreg:$0x5];
	v3 =	vadd.s32 v1, v3  }
0x22: {  	[tilespmem:s0], [sflag:$0x1] =	stream.indirect_vreg.gather [hbm4b:s4+s3], $0x80, v4, vm0, $0xb8;
	[tilespmem:$0xC080] =	vst v63  }
0x23: {  	_ = 	snop  }
0x24: {  	[tilespmem:s9], [sflag:$0x1] =	stream.indirect_vreg.gather [hbm4b:s5+s3], $0x80, v4, vm0, $0xb8;
	[tilespmem:$0xC080] =	vst v63  }
0x25: {  	_ = 	snop  }
0x26: {  	[tilespmem:s10], [sflag:$0x1] =	stream.indirect_vreg.gather [hbm4b:s2+s3], $0x80, v3, vm0, $0xb8;
	[tilespmem:$0xC080] =	vst v63  }
0x27: {  	_ = 	snop  }
0x28: {  	[tilespmem:s11], [sflag:$0x1] =	stream.indirect_vreg.gather [hbm4b:s4+s3], $0x80, v3, vm0, $0xb8;
	[tilespmem:$0xC080] =	vst v63  }
0x29: {  	_ = 	snop  }
0x2a: {  	[tilespmem:s12], [sflag:$0x1] =	stream.indirect_vreg.gather [hbm4b:s5+s3], $0x80, v3, vm0, $0xb8;
	[tilespmem:$0xC080] =	vst v63  }
0x2b: {  	v3 =	vld [tilespmem:$0x10];
	_ =	sdelay $0x4  }
0x2c: {  	v61 =	vshrl.u32 v3, $0x3  }
0x2d: {  	v4 =	vmul.u32 $0x30, v61  }
0x2e: {  	v3 =	vand.u32 $0x7, v3  }
0x2f: {  	v3 =	vor.u32 v3, v4  }
0x30: {  	v4 =	vperm.xlane v3, v0;
	_ =	sdelay $0x1  }
0x31: {  	v4 =	vadd.s32 v1, v4;
	_ =	sdelay $0x3  }
0x32: {  	v3 =	vperm.xlane v3, v2  }
0x33: {  	[tilespmem:s13], [sflag:$0x1] =	stream.indirect_vreg.gather [hbm4b:s2+s3], $0x80, v4, vm0, $0xb8;
	[tilespmem:$0xC080] =	vst v63  }
0x34: {  	v3 =	vadd.s32 v1, v3  }
0x35: {  	[tilespmem:s14], [sflag:$0x1] =	stream.indirect_vreg.gather [hbm4b:s4+s3], $0x80, v4, vm0, $0xb8;
	[tilespmem:$0xC080] =	vst v63  }
0x36: {  	_ = 	snop  }
0x37: {  	[tilespmem:s15], [sflag:$0x1] =	stream.indirect_vreg.gather [hbm4b:s5+s3], $0x80, v4, vm0, $0xb8;
	[tilespmem:$0xC080] =	vst v63  }
0x38: {  	_ = 	snop  }
0x39: {  	[tilespmem:s16], [sflag:$0x1] =	stream.indirect_vreg.gather [hbm4b:s2+s3], $0x80, v3, vm0, $0xb8;
	[tilespmem:$0xC080] =	vst v63  }
0x3a: {  	_ = 	snop  }
0x3b: {  	[tilespmem:s17], [sflag:$0x1] =	stream.indirect_vreg.gather [hbm4b:s4+s3], $0x80, v3, vm0, $0xb8;
	[tilespmem:$0xC080] =	vst v63  }
0x3c: {  	_ = 	snop  }
0x3d: {  	[tilespmem:s18], [sflag:$0x1] =	stream.indirect_vreg.gather [hbm4b:s5+s3], $0x80, v3, vm0, $0xb8;
	[tilespmem:$0xC080] =	vst v63  }
0x3e: {  	v3 =	vld [tilespmem:$0x20];
	_ =	sdelay $0x4  }
0x3f: {  	v62 =	vshrl.u32 v3, $0x3  }
0x40: {  	v4 =	vmul.u32 $0x30, v62  }
0x41: {  	v3 =	vand.u32 $0x7, v3  }
0x42: {  	v3 =	vor.u32 v3, v4  }
0x43: {  	v4 =	vperm.xlane v3, v0;
	_ =	sdelay $0x1  }
0x44: {  	v4 =	vadd.s32 v1, v4;
	_ =	sdelay $0x3  }
0x45: {  	v3 =	vperm.xlane v3, v2  }
0x46: {  	[tilespmem:s19], [sflag:$0x1] =	stream.indirect_vreg.gather [hbm4b:s2+s3], $0x80, v4, vm0, $0xb8;
	[tilespmem:$0xC080] =	vst v63  }
0x47: {  	v3 =	vadd.s32 v1, v3  }
0x48: {  	[tilespmem:s20], [sflag:$0x1] =	stream.indirect_vreg.gather [hbm4b:s4+s3], $0x80, v4, vm0, $0xb8;
	[tilespmem:$0xC080] =	vst v63  }
0x49: {  	_ = 	snop  }
0x4a: {  	[tilespmem:s21], [sflag:$0x1] =	stream.indirect_vreg.gather [hbm4b:s5+s3], $0x80, v4, vm0, $0xb8;
	[tilespmem:$0xC080] =	vst v63  }
0x4b: {  	_ = 	snop  }
0x4c: {  	[tilespmem:s22], [sflag:$0x1] =	stream.indirect_vreg.gather [hbm4b:s2+s3], $0x80, v3, vm0, $0xb8;
	[tilespmem:$0xC080] =	vst v63  }
0x4d: {  	_ = 	snop  }
0x4e: {  	[tilespmem:s23], [sflag:$0x1] =	stream.indirect_vreg.gather [hbm4b:s4+s3], $0x80, v3, vm0, $0xb8;
	[tilespmem:$0xC080] =	vst v63  }
0x4f: {  	_ = 	snop  }
0x50: {  	[tilespmem:s24], [sflag:$0x1] =	stream.indirect_vreg.gather [hbm4b:s5+s3], $0x80, v3, vm0, $0xb8;
	[tilespmem:$0xC080] =	vst v63  }
0x51: {  	v3 =	vld [tilespmem:$0x30];
	_ =	sdelay $0x4  }
0x52: {  	v63 =	vshrl.u32 v3, $0x3  }
0x53: {  	v4 =	vmul.u32 $0x30, v63  }
0x54: {  	v3 =	vand.u32 $0x7, v3  }
0x55: {  	v3 =	vor.u32 v3, v4  }
0x56: {  	v4 =	vperm.xlane v3, v0;
	_ =	sdelay $0x1  }
0x57: {  	v4 =	vadd.s32 v1, v4;
	_ =	sdelay $0x3  }
0x58: {  	v3 =	vperm.xlane v3, v2  }
0x59: {  	[tilespmem:s25], [sflag:$0x1] =	stream.indirect_vreg.gather [hbm4b:s2+s3], $0x80, v4, vm0, $0xb8;
	[tilespmem:$0xC080] =	vst v63  }
0x5a: {  	v3 =	vadd.s32 v1, v3  }
0x5b: {  	[tilespmem:s26], [sflag:$0x1] =	stream.indirect_vreg.gather [hbm4b:s4+s3], $0x80, v4, vm0, $0xb8;
	[tilespmem:$0xC080] =	vst v63  }
0x5c: {  	_ = 	snop  }
0x5d: {  	[tilespmem:s28], [sflag:$0x1] =	stream.indirect_vreg.gather [hbm4b:s5+s3], $0x80, v4, vm0, $0xb8;
	[tilespmem:$0xC080] =	vst v63  }
0x5e: {  	_ = 	snop  }
0x5f: {  	[tilespmem:s29], [sflag:$0x1] =	stream.indirect_vreg.gather [hbm4b:s2+s3], $0x80, v3, vm0, $0xb8;
	[tilespmem:$0xC080] =	vst v63  }
0x60: {  	_ = 	snop  }
0x61: {  	[tilespmem:s30], [sflag:$0x1] =	stream.indirect_vreg.gather [hbm4b:s4+s3], $0x80, v3, vm0, $0xb8;
	[tilespmem:$0xC080] =	vst v63  }
0x62: {  	_ = 	snop  }
0x63: {  	[tilespmem:s31], [sflag:$0x1] =	stream.indirect_vreg.gather [hbm4b:s5+s3], $0x80, v3, vm0, $0xb8;
	[tilespmem:$0xC080] =	vst v63  }
0x64: {  	_ =	swait.ge [sflag:s1], $0xC000  }
0x65: {  	p0 =	sne.s32 s6, $0x1;
	[sflag:s1] =	ssyncset.done $0x0  }
.Ltmp0:
0x66: {  	s0 =	rddreg [dreg:$0x4];
	[sflag:s1] =	ssyncadd.s32 $0xFFFF4000;
	(pc) =	sbr.rel @p0 .LBB2_1-.Ltmp0, $4  }
0x67: {  	[hbm4b:s0+s3] =	stream.linear.scatter [tilespmem:s8], [sflag:$0x2], $0xC000, $0x38;
	[tilespmem:$0xC080] =	vst v63  }
0x68: {  	_ =	swait.ge [sflag:s7], $0xC000  }
0x69: {  	[sflag:s7] =	ssyncset.done $0x0  }
0x6a: {  	s6 =	sadd.s32 $0xFFFFFFFF, s6;
	[sflag:s7] =	ssyncadd.s32 $0xFFFF4000  }
0x6b: {  	_ =	sfence.sel $0x180000  }
0x6c: {  	[bflag:$0x0] =	sbarrier.arrive $0xFFFF  }
0x6d: {  	_ =	strace $0x9000004A  }
0x6e: {  	s0 =	stileid.u32;
	[bflag:$0x2] =	sbarrier.arrive $0xFFFF  }
0x6f: {  	p0 =	sne.s32 s0, $0x0;
	s0 =	rddreg [dreg:$0x2]  }
0x70: {  	s0 =	sadd.s32 @!p0 $0x100000, s0  }
0x71: {  	[sflag:s0] =	ssyncadd.tile.s32 @!p0 $0x1;
	_ =	shalt  }
.Lfunc_end2:
_tile_overlayer_lowered:
.L_overlay_start_2:
0x72: {  	(tag) =	ssettag $0x2  }
0x73: {  	s0 =	rddreg [dreg:$0x0];
	s2 =	stileid.u32  }
0x74: {  	s1 =	rddreg [dreg:$0x1];
	p0 =	sne.s32 s2, $0x0  }
0x75: {  	s3 =	rddreg [dreg:$0x2];
	[bflag:$0x3] =	sbarrier.arrive $0xFFFF;
	s2 =	simm.s32 @!p0 $0x1C02  }
0x76: {  	[timem:s3], [sflag:s2] =	dma.local @!p0 [hbm:s0], s1  }
0x77: {  	s0 =	simm.s32 @!p0 $0x2  }
0x78: {  	_ =	swait.ge @!p0 [sflag:s0], s1  }
0x79: {  	s1 =	ssub.s32 @!p0 $0x0, s1;
	[sflag:s0] =	ssyncset.done @!p0 $0x0  }
0x7a: {  	[sflag:s0] =	ssyncadd.s32 @!p0 s1  }
0x7b: {  	[bflag:$0x3] =	sbarrier.arrive $0xFFFF  }
0x7c: {  	_ =	shalt  }

// kernel: kernel.7.cloned.1.call-start
scs
__scs_entry_jumppad:
0x0: {  	(pc) =	sbr.rel $0x88, $3  }
0x1: {  	(tag) =	ssettag $0x0;
	lr =	simm.s32 $0x1  }
0x2: {  	[smem:$0x3F99] =	sst lr;
	_ =	strace $0xD0000000  }
0x3: {  	_ = 	snop  }
0x4: {  	_ = 	snop  }
0x5: {  	_ = 	snop  }
0x6: {  	_ = 	snop  }
0x7: {  	_ = 	snop  }
__scs_overlays_trampoline_lowered:
0x8: {  	[smem:$0x3FA8] =	sst s0  }
0x9: {  	[smem:$0x3FA9] =	sst s1  }
0xa: {  	[smem:$0x3FAA] =	sst s2  }
0xb: {  	[smem:$0x3FAB] =	sst s3  }
0xc: {  	[smem:$0x3FAC] =	sst s4  }
0xd: {  	[smem:$0x3FAD] =	sst s5  }
0xe: {  	[smem:$0x3FAE] =	sst s6  }
0xf: {  	[smem:$0x3FAF] =	sst s7  }
0x10: {  	[smem:$0x3FB0] =	sst s8  }
0x11: {  	[smem:$0x3FB1] =	sst s9;
	s0 =	simm.s32 @!p0 $0x0  }
0x12: {  	s1 =	sld [smem:$0x3F97];
	s0 =	simm.s32 @p0 $0x1  }
0x13: {  	[smem:$0x3FB2] =	sst s0;
	s0 =	simm.s32 @!p1 $0x0  }
0x14: {  	s2 =	sld [smem:$0x3F96];
	s0 =	simm.s32 @p1 $0x1  }
0x15: {  	[smem:$0x3FB3] =	sst s0;
	s0 =	simm.s32 @!p2 $0x0  }
0x16: {  	s3 =	sld [smem:$0x3FDB];
	s0 =	simm.s32 @p2 $0x1  }
0x17: {  	s4 =	simm.s32 $0x1BF5;
	[smem:$0x3FB5] =	sst s0  }
0x18: {  	s0 =	sld [smem:$0x3F98];
	_ =	swait.ge [sflag:s4], $0x0  }
0x19: {  	s7 =	sld [smem:$0x3F99]  }
0x1a: {  	s8 =	sadd.s32 $0xFFFFE003, lr  }
0x1b: {  	s9 =	sadd.s32 $0xFFFFFEF7, lr;
	s5 =	simm.s32 $0xFFFFFFFF;
	p2 =	slt.u32 s8, $0xFFFFF086  }
0x1c: {  	p1 =	slt.u32 s9, $0xF7A;
	s5 =	simm.s32 @!p2 $0x0  }
0x1d: {  	s5 =	simm.s32 @p1 $0x1;
	p0 =	seq.s32 s7, s2  }
0x1e: {  	s7 =	smul.u32 @!p0 $0xF7A, s2;
	p2 =	seq.s32 @!p0 s5, $0x0  }
0x1f: {  	s9 =	smul.u32 $0xF7A, s1;
	s8 =	simm.s32 @!p0 $0x1BF5;
	p2 =	por !p2, p0  }
0x20: {  	[sflag:s8] =	ssyncset.s32 @!p0 $0xFFFFF086;
	s6 =	sadd.s32 @!p0 s3, s7;
	s7 =	simm.s32 @!p0 $0x108  }
0x21: {  	s3 =	sadd.s32 s3, s9;
	s6 =	sadd.s32 @!p0 $0x88, s6;
	s7 =	simm.s32 @p2 $0x1082  }
0x22: {  	[simem:s7], [sflag:s8] =	dma.local @!p0 [hbm:s6], $0xF7A  }
0x23: {  	s9 =	sor.u32 $0xD0000000, s2;
	s6 =	simm.s32 $0x108;
	_ =	swait.ge @!p0 [sflag:s8], $0x0  }
0x24: {  	s3 =	sadd.s32 $0x88, s3;
	s6 =	simm.s32 @!p1 $0x1082;
	[sflag:s4] =	ssyncset.s32 $0xFFFFF086  }
0x25: {  	[simem:s6], [sflag:s4] =	dma.local [hbm:s3], $0xF7A  }
0x26: {  	[smem:$0x3F99] =	sst s1;
	(tag) =	ssettag s2;
	_ =	strace s9  }
0x27: {  	s1 =	sld [smem:$0x3FA9]  }
0x28: {  	s2 =	sld [smem:$0x3FAA]  }
0x29: {  	s4 =	sld [smem:$0x3FAC]  }
0x2a: {  	p0 =	seq.s32 s5, $0x0;
	s5 =	sld [smem:$0x3FAD]  }
0x2b: {  	s6 =	sld [smem:$0x3FAE]  }
0x2c: {  	s7 =	sld [smem:$0x3FAF]  }
0x2d: {  	s3 =	simm.s32 $0x108;
	s8 =	sld [smem:$0x3FB0]  }
0x2e: {  	s3 =	simm.s32 @!p0 $0x1082;
	s9 =	sld [smem:$0x3FB1]  }
0x2f: {  	lr =	sadd.s32 s0, s3;
	s0 =	sld [smem:$0x3FA8]  }
0x30: {  	s3 =	sld [smem:$0x3FAB]  }
0x31: {  	[smem:$0x3FB4] =	sst s10  }
0x32: {  	s10 =	sld [smem:$0x3FB2];
	_ =	sdelay $0x3  }
0x33: {  	p0 =	seq.s32 s10, $0x1;
	s10 =	sld [smem:$0x3FB4];
	_ =	sdelay $0x3  }
0x34: {  	[smem:$0x3FB4] =	sst s10  }
0x35: {  	s10 =	sld [smem:$0x3FB3];
	_ =	sdelay $0x3  }
0x36: {  	p1 =	seq.s32 s10, $0x1;
	s10 =	sld [smem:$0x3FB4];
	_ =	sdelay $0x3  }
0x37: {  	[smem:$0x3FB4] =	sst s10  }
0x38: {  	s10 =	sld [smem:$0x3FB5]  }
0x39: {  	_ = 	snop;
	(pc) =	sbr.ind lr, $3  }
0x3a: {  	_ = 	snop  }
0x3b: {  	_ = 	snop  }
0x3c: {  	p2 =	seq.s32 s10, $0x1;
	s10 =	sld [smem:$0x3FB4]  }
0x3d: {  	_ =	shalt  }
0x3e: {  	_ =	shalt  }
0x3f: {  	_ =	shalt  }
0x40: {  	_ =	shalt  }
0x41: {  	_ =	shalt  }
0x42: {  	_ =	shalt  }
0x43: {  	_ =	shalt  }
0x44: {  	_ =	shalt  }
0x45: {  	_ =	shalt  }
0x46: {  	_ =	shalt  }
0x47: {  	_ =	shalt  }
0x48: {  	_ =	shalt  }
0x49: {  	_ =	shalt  }
0x4a: {  	_ =	shalt  }
0x4b: {  	_ =	shalt  }
0x4c: {  	_ =	shalt  }
0x4d: {  	_ =	shalt  }
0x4e: {  	_ =	shalt  }
0x4f: {  	_ =	shalt  }
0x50: {  	_ =	shalt  }
0x51: {  	_ =	shalt  }
0x52: {  	_ =	shalt  }
0x53: {  	_ =	shalt  }
0x54: {  	_ =	shalt  }
0x55: {  	_ =	shalt  }
0x56: {  	_ =	shalt  }
0x57: {  	_ =	shalt  }
0x58: {  	_ =	shalt  }
0x59: {  	_ =	shalt  }
0x5a: {  	_ =	shalt  }
0x5b: {  	_ =	shalt  }
0x5c: {  	_ =	shalt  }
0x5d: {  	_ =	shalt  }
0x5e: {  	_ =	shalt  }
0x5f: {  	_ =	shalt  }
0x60: {  	_ =	shalt  }
0x61: {  	_ =	shalt  }
0x62: {  	_ =	shalt  }
0x63: {  	_ =	shalt  }
0x64: {  	_ =	shalt  }
0x65: {  	_ =	shalt  }
0x66: {  	_ =	shalt  }
0x67: {  	_ =	shalt  }
0x68: {  	_ =	shalt  }
0x69: {  	_ =	shalt  }
0x6a: {  	_ =	shalt  }
0x6b: {  	_ =	shalt  }
0x6c: {  	_ =	shalt  }
0x6d: {  	_ =	shalt  }
0x6e: {  	_ =	shalt  }
0x6f: {  	_ =	shalt  }
0x70: {  	_ =	shalt  }
0x71: {  	_ =	shalt  }
0x72: {  	_ =	shalt  }
0x73: {  	_ =	shalt  }
0x74: {  	_ =	shalt  }
0x75: {  	_ =	shalt  }
0x76: {  	_ =	shalt  }
0x77: {  	_ =	shalt  }
0x78: {  	_ =	shalt  }
0x79: {  	_ =	shalt  }
0x7a: {  	_ =	shalt  }
0x7b: {  	_ =	shalt  }
0x7c: {  	_ =	shalt  }
0x7d: {  	_ =	shalt  }
0x7e: {  	_ =	shalt  }
0x7f: {  	_ =	shalt  }
0x80: {  	_ =	shalt  }
0x81: {  	_ =	shalt  }
0x82: {  	_ =	shalt  }
0x83: {  	_ =	shalt  }
0x84: {  	_ =	shalt  }
0x85: {  	_ =	shalt  }
0x86: {  	_ =	shalt  }
0x87: {  	_ =	shalt  }
.Lfunc_end0:
.L_simem_size_0:
called_computation_lowered:
.L_overlay_start_0:
0x88: {  	s2 =	sld [smem:$0x3FD9]  }
0x89: {  	s3 =	sld [smem:$0x3FFE];
	_ =	sdelay $0x1  }
0x8a: {  	s1 =	srdreg.scid  }
0x8b: {  	s0 =	sand.u32 $0x1, s1  }
0x8c: {  	s17 =	sshll.u32 s0, $0xA;
	s2 =	sadd.s32 s3, s2  }
0x8d: {  	s2 =	sadd.s32 s2, s17  }
0x8e: {  	[smem:$0x3FC0] =	sst s2  }
0x8f: {  	_ = 	snop  }
0x90: {  	s2 =	sld [smem:$0x3FC9]  }
0x91: {  	s18 =	sld [smem:$0x3FD0];
	(tm) =	ssettm $0x1  }
0x92: {  	s4 =	sld [smem:$0x3FFB];
	_ =	sdelay $0x3  }
0x93: {  	_ =	strace s4  }
0x94: {  	s4 =	sld [smem:$0x3FFC];
	_ =	sdelay $0x3  }
0x95: {  	_ =	strace s4  }
0x96: {  	s4 =	sld [smem:$0x3FFD];
	_ =	sdelay $0x3  }
0x97: {  	_ =	strace s4  }
0x98: {  	_ =	strace $0x8FFFFFFF  }
0x99: {  	s19 =	sld [smem:$0x3FDB];
	_ =	sdelay $0x1  }
0x9a: {  	s5 =	simm.s32 $_scs_section_size  }
0x9b: {  	s6 =	simm.s32 $_size__tile_overlayer_lowered;
	s7 =	simm.s32 $_tile_overlayer_lowered  }
0x9c: {  	s22 =	simm.s32 $0x1BFF;
	s21 =	sshll.u32 s7, $0x1;
	s4 =	sadd.s32 s5, s19  }
0x9d: {  	s8 =	simm.s32 $0x0;
	s20 =	sshll.u32 s6, $0x1;
	s6 =	sadd.s32 s21, s4  }
0x9e: {  	[timem:s8], [sflag:s22] =	dma.local [hbm:s6], s20  }
0x9f: {  	_ =	swait.ge [sflag:s22], s20  }
0xa0: {  	s5 =	ssub.s32 $0x0, s20;
	[sflag:s22] =	ssyncset.done $0x0  }
0xa1: {  	[sflag:s22] =	ssyncadd.s32 s5;
	_ =	sdelay $0x1  }
0xa2: {  	s23 =	simm.s32 $0x1B8B  }
0xa3: {  	_ =	swait.ge [sflag:s23], $0x1  }
0xa4: {  	[sflag:s23] =	ssyncset.done $0x0  }
0xa5: {  	s25 =	simm.s32 $0x1B8E;
	s24 =	sld [smem:$0x3FFE];
	[sflag:s23] =	ssyncadd.s32 $0xFFFFFFFF  }
0xa6: {  	s26 =	simm.s32 $execute0_lowered;
	[smem:$0x3FD2] =	sst s25  }
0xa7: {  	s6 =	sshll.u32 s26, $0x1;
	_ =	strace $0x80000046;
	[dreg:$0x1] =	wrdreg $0xFFFFFFFF  }
0xa8: {  	s28 =	simm.s32 $_size_execute0_lowered;
	s4 =	sadd.s32 s4, s6;
	[dreg:$0x0] =	wrdreg $0x0  }
0xa9: {  	s6 =	sshll.u32 s28, $0x1;
	[dreg:$0x2] =	wrdreg s4  }
0xaa: {  	[dreg:$0x3] =	wrdreg s6  }
0xab: {  	[dreg:$0x4] =	wrdreg $0xC0  }
0xac: {  	_ =	task [dreg:s8], $0x5FFFF  }
0xad: {  	[dreg:$0x1] =	wrdreg $0xFFFFFFFF  }
0xae: {  	[dreg:$0x0] =	wrdreg $0x60  }
0xaf: {  	[dreg:$0x2] =	wrdreg s2  }
0xb0: {  	[dreg:$0x3] =	wrdreg s24  }
0xb1: {  	[dreg:$0x4] =	wrdreg s18  }
0xb2: {  	[dreg:$0x5] =	wrdreg $0x9  }
0xb3: {  	_ =	task.clear_ibuf [dreg:s8], $0x6FFFF;
	_ =	strace $0x90000046  }
0xb4: {  	s29 =	simm.s32 $0x9;
	_ =	strace $0x80000048  }
0xb5: {  	_ =	swait.ge [sflag:s29], $0x1  }
0xb6: {  	[sflag:s29] =	ssyncadd.s32 $0xFFFFFFFF  }
0xb7: {  	_ =	strace $0x90000048  }
0xb8: {  	_ =	sfence  }
0xb9: {  	s30 =	sld [smem:$0x0];
	_ =	sdelay $0x2  }
0xba: {  	s31 =	sshll.u32 s1, $0xD;
	s1 =	sshrl.u32 s1, $0x2  }
0xbb: {  	s3 =	sand.u32 $0x4000, s31;
	s1 =	sadd.s32 s1, s30  }
0xbc: {  	s0 =	sor.u32 s3, s0;
	s1 =	sshll.u32 s1, $0x11  }
0xbd: {  	s0 =	sor.u32 s1, s0  }
0xbe: {  	s0 =	sadd.s32 $0x8F2B, s0  }
0xbf: {  	[sflag:s0] =	ssyncadd.remote.s32 $0x1  }
0xc0: {  	_ =	sfence.sel $0xFFFF  }
0xc1: {  	[dreg:$0x0] =	wrdreg $0xFFFFFFFF;
	(pc) =	sbr.abs _section_cstart, $3  }
0xc2: {  	[dreg:$0x1] =	wrdreg $0xFFFFFFFF  }
0xc3: {  	_ =	task.clear_ibuf [dreg:s8], $0x2FFFF;
	_ =	strace $0x9FFFFFFF  }
0xc4: {  	(tm) =	ssettm $0x7FFFFFFF  }
0xc5: {  	_ =	shalt  }
tec
execute0_lowered:
.L_overlay_start_1:
0x0: {  	(tag) =	ssettag $0x1  }
0x1: {  	s1 =	rddreg [dreg:$0x0]  }
0x2: {  	s2 =	srdreg.scid;
	s4 =	rddreg [dreg:$0x1]  }
0x3: {  	s0 =	stileid.u32;
	s3 =	simm.s32 $0x0;
	s8 =	simm.s32 $0x80  }
0x4: {  	s26 =	simm.s32 $0x880;
	s9 =	simm.s32 $0x1080;
	s10 =	simm.s32 $0x1880  }
0x5: {  	s11 =	simm.s32 $0x2080;
	s12 =	simm.s32 $0x2880;
	s13 =	simm.s32 $0x3080  }
0x6: {  	s14 =	simm.s32 $0x3880;
	s15 =	simm.s32 $0x4080;
	s16 =	simm.s32 $0x4880  }
0x7: {  	s17 =	simm.s32 $0x5080;
	s18 =	simm.s32 $0x5880;
	s19 =	simm.s32 $0x6080  }
0x8: {  	s20 =	simm.s32 $0x6880;
	s21 =	simm.s32 $0x7080;
	s22 =	simm.s32 $0x7880  }
0x9: {  	s23 =	simm.s32 $0x8080;
	s28 =	simm.s32 $0xA080;
	s29 =	simm.s32 $0xA880  }
0xa: {  	s30 =	simm.s32 $0xB080;
	s5 =	sand.u32 $0x1, s2;
	s2 =	rddreg [dreg:$0x2]  }
0xb: {  	s31 =	simm.s32 $0xB880;
	s6 =	sshll.u32 s0, $0x4;
	[smem:$0x7FF] =	sst s3  }
0xc: {  	s7 =	sshll.u32 s5, $0x3;
	_ =	strace $0x80000047;
	s5 =	ssub.s32 $0x2, s5  }
0xd: {  	[dreg:$0x6] =	wrdreg s26;
	s26 =	simm.s32 $0x9880;
	s6 =	sor.u32 s7, s6  }
0xe: {  	s24 =	sshrl.u32 s5, $0x1;
	s7 =	simm.s32 $0x2;
	s4 =	sadd.s32 s6, s4  }
0xf: {  	s6 =	smul.u32 $0x300, s6;
	s25 =	ssub.s32 s5, s24;
	s4 =	sadd.s32 $0x2800, s4  }
0x10: {  	v2 =	vlaneseq.u32;
	s5 =	sadd.s32 $0x200, s2;
	s24 =	simm.s32 $0x8880;
	[dreg:$0x4] =	wrdreg s4  }
0x11: {  	vm0 =	vmmov $0xffff;
	v1 =	vshrl.u32 v2, $0x3;
	s1 =	sadd.s32 s1, s6;
	s4 =	sadd.s32 $0x100, s2;
	s6 =	smax.u32 s25, $0x1  }
0x12: {  	v0 =	vand.u32 $0x7, v2;
	v2 =	vor.u32 $0x8, v2;
	v1 =	vmul.u32 $0x8, v1;
	s25 =	simm.s32 $0x9080;
	[dreg:$0x5] =	wrdreg s1;
	s1 =	simm.s32 $0x1  }
.LBB2_1:
0x13: {  	s0 =	rddreg [dreg:$0x4]  }
0x14: {  	[tilespmem:s3], [sflag:$0x2] =	stream.linear.gather [hbm4b:s0+s3], $0x40, $0x38;
	[tilespmem:$0xC080] =	vst v63  }
0x15: {  	_ =	swait.ge [sflag:s7], $0x40  }
0x16: {  	[sflag:s7] =	ssyncset.done $0x0  }
0x17: {  	s0 =	rddreg [dreg:$0x5];
	[sflag:s7] =	ssyncadd.s32 $0xFFFFFFC0  }
0x18: {  	[tilespmem:s8], [sflag:$0x2] =	stream.linear.gather [hbm4b:s0+s3], $0xC000, $0x38;
	[tilespmem:$0xC080] =	vst v63  }
0x19: {  	_ =	swait.ge [sflag:s7], $0xC000  }
0x1a: {  	[sflag:s7] =	ssyncset.done $0x0  }
0x1b: {  	[sflag:s7] =	ssyncadd.s32 $0xFFFF4000  }
0x1c: {  	v3 =	vld [tilespmem:$0x0];
	_ =	sdelay $0x4  }
0x1d: {  	v4 =	vshrl.u32 v3, $0x3  }
0x1e: {  	v4 =	vmul.u32 $0x30, v4  }
0x1f: {  	v3 =	vand.u32 $0x7, v3  }
0x20: {  	v3 =	vor.u32 v3, v4  }
0x21: {  	v4 =	vperm.xlane v3, v0;
	_ =	sdelay $0x1  }
0x22: {  	v4 =	vadd.s32 v1, v4;
	_ =	sdelay $0x3  }
0x23: {  	v3 =	vperm.xlane v3, v2  }
0x24: {  	[hbm4b:s2+s3] =	stream.indirect_vreg.scatter [tilespmem:s8], [sflag:$0x1], $0x80, v4, vm0, $0xb8;
	[tilespmem:$0xC080] =	vst v63  }
0x25: {  	s0 =	rddreg [dreg:$0x6];
	v3 =	vadd.s32 v1, v3  }
0x26: {  	[hbm4b:s4+s3] =	stream.indirect_vreg.scatter [tilespmem:s0], [sflag:$0x1], $0x80, v4, vm0, $0xb8;
	[tilespmem:$0xC080] =	vst v63  }
0x27: {  	_ = 	snop  }
0x28: {  	[hbm4b:s5+s3] =	stream.indirect_vreg.scatter [tilespmem:s9], [sflag:$0x1], $0x80, v4, vm0, $0xb8;
	[tilespmem:$0xC080] =	vst v63  }
0x29: {  	_ = 	snop  }
0x2a: {  	[hbm4b:s2+s3] =	stream.indirect_vreg.scatter [tilespmem:s10], [sflag:$0x1], $0x80, v3, vm0, $0xb8;
	[tilespmem:$0xC080] =	vst v63  }
0x2b: {  	_ = 	snop  }
0x2c: {  	[hbm4b:s4+s3] =	stream.indirect_vreg.scatter [tilespmem:s11], [sflag:$0x1], $0x80, v3, vm0, $0xb8;
	[tilespmem:$0xC080] =	vst v63  }
0x2d: {  	_ = 	snop  }
0x2e: {  	[hbm4b:s5+s3] =	stream.indirect_vreg.scatter [tilespmem:s12], [sflag:$0x1], $0x80, v3, vm0, $0xb8;
	[tilespmem:$0xC080] =	vst v63  }
0x2f: {  	v3 =	vld [tilespmem:$0x10];
	_ =	sdelay $0x4  }
0x30: {  	v61 =	vshrl.u32 v3, $0x3  }
0x31: {  	v4 =	vmul.u32 $0x30, v61  }
0x32: {  	v3 =	vand.u32 $0x7, v3  }
0x33: {  	v3 =	vor.u32 v3, v4  }
0x34: {  	v4 =	vperm.xlane v3, v0;
	_ =	sdelay $0x1  }
0x35: {  	v4 =	vadd.s32 v1, v4;
	_ =	sdelay $0x3  }
0x36: {  	v3 =	vperm.xlane v3, v2  }
0x37: {  	[hbm4b:s2+s3] =	stream.indirect_vreg.scatter [tilespmem:s13], [sflag:$0x1], $0x80, v4, vm0, $0xb8;
	[tilespmem:$0xC080] =	vst v63  }
0x38: {  	v3 =	vadd.s32 v1, v3  }
0x39: {  	[hbm4b:s4+s3] =	stream.indirect_vreg.scatter [tilespmem:s14], [sflag:$0x1], $0x80, v4, vm0, $0xb8;
	[tilespmem:$0xC080] =	vst v63  }
0x3a: {  	_ = 	snop  }
0x3b: {  	[hbm4b:s5+s3] =	stream.indirect_vreg.scatter [tilespmem:s15], [sflag:$0x1], $0x80, v4, vm0, $0xb8;
	[tilespmem:$0xC080] =	vst v63  }
0x3c: {  	_ = 	snop  }
0x3d: {  	[hbm4b:s2+s3] =	stream.indirect_vreg.scatter [tilespmem:s16], [sflag:$0x1], $0x80, v3, vm0, $0xb8;
	[tilespmem:$0xC080] =	vst v63  }
0x3e: {  	_ = 	snop  }
0x3f: {  	[hbm4b:s4+s3] =	stream.indirect_vreg.scatter [tilespmem:s17], [sflag:$0x1], $0x80, v3, vm0, $0xb8;
	[tilespmem:$0xC080] =	vst v63  }
0x40: {  	_ = 	snop  }
0x41: {  	[hbm4b:s5+s3] =	stream.indirect_vreg.scatter [tilespmem:s18], [sflag:$0x1], $0x80, v3, vm0, $0xb8;
	[tilespmem:$0xC080] =	vst v63  }
0x42: {  	v3 =	vld [tilespmem:$0x20];
	_ =	sdelay $0x4  }
0x43: {  	v62 =	vshrl.u32 v3, $0x3  }
0x44: {  	v4 =	vmul.u32 $0x30, v62  }
0x45: {  	v3 =	vand.u32 $0x7, v3  }
0x46: {  	v3 =	vor.u32 v3, v4  }
0x47: {  	v4 =	vperm.xlane v3, v0;
	_ =	sdelay $0x1  }
0x48: {  	v4 =	vadd.s32 v1, v4;
	_ =	sdelay $0x3  }
0x49: {  	v3 =	vperm.xlane v3, v2  }
0x4a: {  	[hbm4b:s2+s3] =	stream.indirect_vreg.scatter [tilespmem:s19], [sflag:$0x1], $0x80, v4, vm0, $0xb8;
	[tilespmem:$0xC080] =	vst v63  }
0x4b: {  	v3 =	vadd.s32 v1, v3  }
0x4c: {  	[hbm4b:s4+s3] =	stream.indirect_vreg.scatter [tilespmem:s20], [sflag:$0x1], $0x80, v4, vm0, $0xb8;
	[tilespmem:$0xC080] =	vst v63  }
0x4d: {  	_ = 	snop  }
0x4e: {  	[hbm4b:s5+s3] =	stream.indirect_vreg.scatter [tilespmem:s21], [sflag:$0x1], $0x80, v4, vm0, $0xb8;
	[tilespmem:$0xC080] =	vst v63  }
0x4f: {  	_ = 	snop  }
0x50: {  	[hbm4b:s2+s3] =	stream.indirect_vreg.scatter [tilespmem:s22], [sflag:$0x1], $0x80, v3, vm0, $0xb8;
	[tilespmem:$0xC080] =	vst v63  }
0x51: {  	_ = 	snop  }
0x52: {  	[hbm4b:s4+s3] =	stream.indirect_vreg.scatter [tilespmem:s23], [sflag:$0x1], $0x80, v3, vm0, $0xb8;
	[tilespmem:$0xC080] =	vst v63  }
0x53: {  	_ = 	snop  }
0x54: {  	[hbm4b:s5+s3] =	stream.indirect_vreg.scatter [tilespmem:s24], [sflag:$0x1], $0x80, v3, vm0, $0xb8;
	[tilespmem:$0xC080] =	vst v63  }
0x55: {  	v3 =	vld [tilespmem:$0x30];
	_ =	sdelay $0x4  }
0x56: {  	v63 =	vshrl.u32 v3, $0x3  }
0x57: {  	v4 =	vmul.u32 $0x30, v63  }
0x58: {  	v3 =	vand.u32 $0x7, v3  }
0x59: {  	v3 =	vor.u32 v3, v4  }
0x5a: {  	v4 =	vperm.xlane v3, v0;
	_ =	sdelay $0x1  }
0x5b: {  	v4 =	vadd.s32 v1, v4;
	_ =	sdelay $0x3  }
0x5c: {  	v3 =	vperm.xlane v3, v2  }
0x5d: {  	[hbm4b:s2+s3] =	stream.indirect_vreg.scatter [tilespmem:s25], [sflag:$0x1], $0x80, v4, vm0, $0xb8;
	[tilespmem:$0xC080] =	vst v63  }
0x5e: {  	v3 =	vadd.s32 v1, v3  }
0x5f: {  	[hbm4b:s4+s3] =	stream.indirect_vreg.scatter [tilespmem:s26], [sflag:$0x1], $0x80, v4, vm0, $0xb8;
	[tilespmem:$0xC080] =	vst v63  }
0x60: {  	_ = 	snop  }
0x61: {  	[hbm4b:s5+s3] =	stream.indirect_vreg.scatter [tilespmem:s28], [sflag:$0x1], $0x80, v4, vm0, $0xb8;
	[tilespmem:$0xC080] =	vst v63  }
0x62: {  	_ = 	snop  }
0x63: {  	[hbm4b:s2+s3] =	stream.indirect_vreg.scatter [tilespmem:s29], [sflag:$0x1], $0x80, v3, vm0, $0xb8;
	[tilespmem:$0xC080] =	vst v63  }
0x64: {  	p0 =	sne.s32 s6, $0x1  }
0x65: {  	[hbm4b:s4+s3] =	stream.indirect_vreg.scatter [tilespmem:s30], [sflag:$0x1], $0x80, v3, vm0, $0xb8;
	[tilespmem:$0xC080] =	vst v63  }
.Ltmp0:
0x66: {  	_ = 	snop;
	(pc) =	sbr.rel @p0 .LBB2_1-.Ltmp0, $4  }
0x67: {  	[hbm4b:s5+s3] =	stream.indirect_vreg.scatter [tilespmem:s31], [sflag:$0x1], $0x80, v3, vm0, $0xb8;
	[tilespmem:$0xC080] =	vst v63  }
0x68: {  	_ =	swait.ge [sflag:s1], $0xC000  }
0x69: {  	[sflag:s1] =	ssyncset.done $0x0  }
0x6a: {  	s6 =	sadd.s32 $0xFFFFFFFF, s6;
	[sflag:s1] =	ssyncadd.s32 $0xFFFF4000  }
0x6b: {  	_ =	sfence.sel $0x180000  }
0x6c: {  	[bflag:$0x0] =	sbarrier.arrive $0xFFFF  }
0x6d: {  	_ =	strace $0x90000047  }
0x6e: {  	s0 =	stileid.u32;
	[bflag:$0x2] =	sbarrier.arrive $0xFFFF  }
0x6f: {  	p0 =	sne.s32 s0, $0x0;
	s0 =	rddreg [dreg:$0x3]  }
0x70: {  	s0 =	sadd.s32 @!p0 $0x100000, s0  }
0x71: {  	[sflag:s0] =	ssyncadd.tile.s32 @!p0 $0x1;
	_ =	shalt  }
.Lfunc_end2:
_tile_overlayer_lowered:
.L_overlay_start_2:
0x72: {  	(tag) =	ssettag $0x2  }
0x73: {  	s0 =	rddreg [dreg:$0x0];
	s2 =	stileid.u32  }
0x74: {  	s1 =	rddreg [dreg:$0x1];
	p0 =	sne.s32 s2, $0x0  }
0x75: {  	s3 =	rddreg [dreg:$0x2];
	[bflag:$0x3] =	sbarrier.arrive $0xFFFF;
	s2 =	simm.s32 @!p0 $0x1C02  }
0x76: {  	[timem:s3], [sflag:s2] =	dma.local @!p0 [hbm:s0], s1  }
0x77: {  	s0 =	simm.s32 @!p0 $0x2  }
0x78: {  	_ =	swait.ge @!p0 [sflag:s0], s1  }
0x79: {  	s1 =	ssub.s32 @!p0 $0x0, s1;
	[sflag:s0] =	ssyncset.done @!p0 $0x0  }
0x7a: {  	[sflag:s0] =	ssyncadd.s32 @!p0 s1  }
0x7b: {  	[bflag:$0x3] =	sbarrier.arrive $0xFFFF  }
0x7c: {  	_ =	shalt  }

</sc_bundles>
